<compile_context>
chip_gen: v7x
topology: tpu7x:2x2x1
jax: 0.10.2.dev20260603
libtpu: 0.0.44.dev20260713+nightly
codegen_flags: <defaults>
</compile_context>

<pallas_src>
import functools
import math

import jax
import jax.numpy as jnp
from jax import lax
from jax.experimental import pallas as pl
from jax.experimental.pallas import tpu as pltpu
from jax.experimental.pallas import tpu_sc as plsc

D_MODEL = 128
MAX_LEN = 2048

_NUM_CORES = 2
_NUM_SUBCORES = 16
_NUM_WORKERS = _NUM_CORES * _NUM_SUBCORES

_NBUF = 5
_LOOKAHEAD = 2


def _table_body(div_full_ref, out_ref):
    pos = lax.broadcasted_iota(jnp.int32, (MAX_LEN, D_MODEL), 0).astype(jnp.float32)
    angles = pos * div_full_ref[...]
    lane = lax.broadcasted_iota(jnp.int32, (MAX_LEN, D_MODEL), 1)
    out_ref[...] = jnp.where(lane % 2 == 0, jnp.sin(angles), jnp.cos(angles))


def _build_table(div_term):
    div_full = jnp.repeat(div_term, 2).reshape(1, D_MODEL)
    return pl.pallas_call(
        _table_body,
        out_shape=jax.ShapeDtypeStruct((MAX_LEN, D_MODEL), jnp.float32),
    )(div_full)


def _make_gather(batch, chunk):
    b_per_w = batch // _NUM_WORKERS
    n_chunks = b_per_w // chunk
    assert n_chunks % _NBUF == 0 and n_chunks >= 2 * _NBUF
    mesh = plsc.VectorSubcoreMesh(core_axis_name="c", subcore_axis_name="s")

    @functools.partial(
        pl.kernel,
        mesh=mesh,
        out_type=jax.ShapeDtypeStruct((batch, D_MODEL), jnp.float32),
        scratch_types=[
            pltpu.VMEM((b_per_w,), jnp.int32),
            pltpu.VMEM((_NBUF, chunk, D_MODEL), jnp.float32),
            pltpu.VMEM_SHARED((MAX_LEN, D_MODEL), jnp.float32),
            [pltpu.SemaphoreType.DMA] * _NBUF,
            [pltpu.SemaphoreType.DMA] * _NBUF,
        ],
    )
    def gather(table_hbm, idx_hbm, out_hbm, idx_v, rows_v, table_sp,
               gsems, osems):
        wid = lax.axis_index("s") * _NUM_CORES + lax.axis_index("c")
        base = wid * b_per_w

        @pl.when(lax.axis_index("s") == 0)
        def _():
            pltpu.sync_copy(table_hbm, table_sp)

        pltpu.sync_copy(idx_hbm.at[pl.ds(base, b_per_w)], idx_v)
        plsc.subcore_barrier()

        def gather_desc(j, b):
            return pltpu.make_async_copy(
                table_sp.at[idx_v.at[pl.ds(j * chunk, chunk)]],
                rows_v.at[b], gsems[b])

        def out_desc(j, b):
            return pltpu.make_async_copy(
                rows_v.at[b], out_hbm.at[pl.ds(base + j * chunk, chunk)],
                osems[b])

        for j in range(_LOOKAHEAD):
            gather_desc(j, j % _NBUF).start()

        def step(j, jd, b, bd):
            @pl.when(jd >= _NBUF)
            def _():
                out_desc(jd - _NBUF, bd).wait()

            @pl.when(jd < n_chunks)
            def _():
                gather_desc(jd, bd).start()

            gather_desc(j, b).wait()
            out_desc(j, b).start()

        def body(j2, carry):
            for u in range(_NBUF):
                j = j2 * _NBUF + u
                jd = j + _LOOKAHEAD
                step(j, jd, u, (u + _LOOKAHEAD) % _NBUF)
            return carry

        lax.fori_loop(0, n_chunks // _NBUF, body, 0)

        for j in range(n_chunks - _NBUF + _LOOKAHEAD, n_chunks):
            out_desc(j, j % _NBUF).wait()

    return gather


def kernel(position, div_term):
    table = _build_table(div_term)
    idx = position.reshape(-1)
    batch = idx.shape[0]
    gather = _make_gather(batch, chunk=128)
    return gather(table, idx)

# --- scband reference (transcript-rebuilt; emitter-appended) ---
"""Pipeline reference for scband-positional-embedding-87694642250349 (READ-ONLY COPY).

The authoritative reference and input builder live on the scoring server;
editing this copy changes nothing except your own understanding.
"""

import jax, jax.numpy as jnp
import numpy as np
import math

D_MODEL = 128
MAX_LEN = 2048


def setup_inputs(seed: int = 0) -> dict:
    key = jax.random.key(seed)
    k1, k2 = jax.random.split(key)
    position = jax.random.randint(k1, (4096, 200), 0, MAX_LEN, dtype=jnp.int64 if jax.config.jax_enable_x64 else jnp.int32).astype(jnp.int32)
    # learned parameter (requires_grad=True in the torch module)
    div_term = jnp.exp(jnp.arange(0, D_MODEL, 2, dtype=jnp.float32) * (-(math.log(10000.0) / D_MODEL)))
    return {"position": position, "div_term": div_term}


def reference(position, div_term):
    d_model = 2 * div_term.shape[0]
    pos_idx = position.reshape(-1)
    # self.position: [max_len, 1]
    pos_range = jnp.arange(0, MAX_LEN, dtype=jnp.float32)[:, None]
    angles = pos_range * div_term[None, :]  # [max_len, d_model//2]
    pe = jnp.zeros((MAX_LEN, d_model), dtype=jnp.float32)
    pe = pe.at[:, 0::2].set(jnp.sin(angles))
    pe = pe.at[:, 1::2].set(jnp.cos(angles))
    x = jnp.take(pe, pos_idx, axis=0)  # gather: [N, d_model]
    return x

if __name__ == "__main__":
    import jax
    _d = setup_inputs()
    print(jax.jit(kernel)(*tuple(_d.values())))

</pallas_src>

<mosaic_0001>
#map = affine_map<(d0, d1) -> (0, 0)>
#map1 = affine_map<(d0, d1) -> (0)>
module attributes {stable_mosaic.version = 14 : i64} {
  func.func @gather(%arg0: i32, %arg1: i32, %arg2: memref<2048x128xf32, #tpu.memory_space<hbm>>, %arg3: memref<819200xi32, #tpu.memory_space<hbm>>, %arg4: memref<819200x128xf32, #tpu.memory_space<hbm>>, %arg5: memref<25600xi32, #tpu.memory_space<vmem>>, %arg6: memref<5x128x128xf32, #tpu.memory_space<vmem>>, %arg7: memref<2048x128xf32, #tpu.memory_space<vmem_shared>>, %arg8: memref<!tpu.dma_semaphore, #tpu.memory_space<semaphore_mem>>, %arg9: memref<!tpu.dma_semaphore, #tpu.memory_space<semaphore_mem>>, %arg10: memref<!tpu.dma_semaphore, #tpu.memory_space<semaphore_mem>>, %arg11: memref<!tpu.dma_semaphore, #tpu.memory_space<semaphore_mem>>, %arg12: memref<!tpu.dma_semaphore, #tpu.memory_space<semaphore_mem>>, %arg13: memref<!tpu.dma_semaphore, #tpu.memory_space<semaphore_mem>>, %arg14: memref<!tpu.dma_semaphore, #tpu.memory_space<semaphore_mem>>, %arg15: memref<!tpu.dma_semaphore, #tpu.memory_space<semaphore_mem>>, %arg16: memref<!tpu.dma_semaphore, #tpu.memory_space<semaphore_mem>>, %arg17: memref<!tpu.dma_semaphore, #tpu.memory_space<semaphore_mem>>) attributes {dimension_semantics = [#tpu.dimension_semantics<core_parallel>, #tpu.dimension_semantics<subcore_parallel>], iteration_bounds = array<i64: 2, 16>, scalar_prefetch = 0 : i64, scratch_operands = 13 : i64, tpu.core_type = #tpu.core_type<sc_vector_subcore>, window_params = [{transform_indices = #map}, {transform_indices = #map1}, {transform_indices = #map}]} {
    %mul3A = arith.constant 2 : i32
    %mul3A_0 = arith.muli %arg1, %mul3A : i32
    %add3A = arith.addi %mul3A_0, %arg0 : i32
    %mul3A_1 = arith.constant 25600 : i32
    %mul3A_2 = arith.muli %add3A, %mul3A_1 : i32
    %eq3A = arith.constant 0 : i32
    %eq3A_3 = arith.cmpi eq, %arg1, %eq3A : i32
    %convert_element_type3A = arith.extui %eq3A_3 : i1 to i32
    %cond3A = arith.constant 0 : i32
    %cond3A_4 = arith.cmpi ne, %convert_element_type3A, %cond3A : i32
    scf.if %cond3A_4 {
      "tpu.region"() ({
        %run_scoped3A = tpu.sem_alloc : memref<!tpu.dma_semaphore, #tpu.memory_space<semaphore_mem>>
        tpu.enqueue_dma source(%arg2 : memref<2048x128xf32, #tpu.memory_space<hbm>>) target(%arg7 : memref<2048x128xf32, #tpu.memory_space<vmem_shared>>) target_semaphore(%run_scoped3A : memref<!tpu.dma_semaphore, #tpu.memory_space<semaphore_mem>>)
        tpu.wait_dma2 semaphore(%run_scoped3A : memref<!tpu.dma_semaphore, #tpu.memory_space<semaphore_mem>>) src(%arg2 : memref<2048x128xf32, #tpu.memory_space<hbm>>) dst(%arg7 : memref<2048x128xf32, #tpu.memory_space<vmem_shared>>)
        tpu.yield
      }) : () -> ()
    } else {
    }
    "tpu.region"() ({
      %run_scoped3A = tpu.sem_alloc : memref<!tpu.dma_semaphore, #tpu.memory_space<semaphore_mem>>
      %dma_start3A_73 = tpu.memref_slice %arg3[%mul3A_2] : memref<819200xi32, #tpu.memory_space<hbm>> -> memref<25600xi32, #tpu.memory_space<hbm>>
      %dma_start3A_74 = tpu.memref_slice %arg3[%mul3A_2] : memref<819200xi32, #tpu.memory_space<hbm>> -> memref<25600xi32, #tpu.memory_space<hbm>>
      tpu.enqueue_dma source(%dma_start3A_74 : memref<25600xi32, #tpu.memory_space<hbm>>) target(%arg5 : memref<25600xi32, #tpu.memory_space<vmem>>) target_semaphore(%run_scoped3A : memref<!tpu.dma_semaphore, #tpu.memory_space<semaphore_mem>>)
      %dma_wait3A_75 = tpu.memref_slice %arg3[%mul3A_2] : memref<819200xi32, #tpu.memory_space<hbm>> -> memref<25600xi32, #tpu.memory_space<hbm>>
      %dma_wait3A_76 = tpu.memref_slice %arg3[%mul3A_2] : memref<819200xi32, #tpu.memory_space<hbm>> -> memref<25600xi32, #tpu.memory_space<hbm>>
      tpu.wait_dma2 semaphore(%run_scoped3A : memref<!tpu.dma_semaphore, #tpu.memory_space<semaphore_mem>>) src(%dma_wait3A_76 : memref<25600xi32, #tpu.memory_space<hbm>>) dst(%arg5 : memref<25600xi32, #tpu.memory_space<vmem>>)
      tpu.yield
    }) : () -> ()
    %barrier3A = arith.constant 0 : index
    tpu.barrier barrier_id(%barrier3A)
    %dma_start3A = arith.constant 0 : i32
    %dma_start3A_5 = arith.constant 0 : i32
    %dma_start3A_6 = arith.constant 0 : i32
    %dma_start3A_7 = tpu.memref_slice %arg6[%dma_start3A, %dma_start3A_5, %dma_start3A_6] : memref<5x128x128xf32, #tpu.memory_space<vmem>> -> memref<1x128x128xf32, #tpu.memory_space<vmem>>
    %dma_start3A_8 = tpu.memref_squeeze %dma_start3A_7 : memref<1x128x128xf32, #tpu.memory_space<vmem>> -> memref<128x128xf32, #tpu.memory_space<vmem>>
    %dma_start3A_9 = arith.constant 0 : i32
    %dma_start3A_10 = tpu.memref_slice %arg5[%dma_start3A_9] : memref<25600xi32, #tpu.memory_space<vmem>> -> memref<128xi32, #tpu.memory_space<vmem>>
    %dma_start3A_11 = arith.constant 0 : i32
    %dma_start3A_12 = arith.constant 0 : i32
    %dma_start3A_13 = tpu.memref_slice %arg7[%dma_start3A_11, %dma_start3A_12] : memref<2048x128xf32, #tpu.memory_space<vmem_shared>> -> memref<2048x128xf32, #tpu.memory_space<vmem_shared>>
    tpu.enqueue_indirect_dma source(%dma_start3A_13 : memref<2048x128xf32, #tpu.memory_space<vmem_shared>>) target(%dma_start3A_8 : memref<128x128xf32, #tpu.memory_space<vmem>>) offsets(%dma_start3A_10 : memref<128xi32, #tpu.memory_space<vmem>>) semaphore(%arg8 : memref<!tpu.dma_semaphore, #tpu.memory_space<semaphore_mem>>)
    %dma_start3A_14 = arith.constant 1 : i32
    %dma_start3A_15 = arith.constant 0 : i32
    %dma_start3A_16 = arith.constant 0 : i32
    %dma_start3A_17 = tpu.memref_slice %arg6[%dma_start3A_14, %dma_start3A_15, %dma_start3A_16] : memref<5x128x128xf32, #tpu.memory_space<vmem>> -> memref<1x128x128xf32, #tpu.memory_space<vmem>>
    %dma_start3A_18 = tpu.memref_squeeze %dma_start3A_17 : memref<1x128x128xf32, #tpu.memory_space<vmem>> -> memref<128x128xf32, #tpu.memory_space<vmem>>
    %dma_start3A_19 = arith.constant 128 : i32
    %dma_start3A_20 = tpu.memref_slice %arg5[%dma_start3A_19] : memref<25600xi32, #tpu.memory_space<vmem>> -> memref<128xi32, #tpu.memory_space<vmem>>
    %dma_start3A_21 = arith.constant 0 : i32
    %dma_start3A_22 = arith.constant 0 : i32
    %dma_start3A_23 = tpu.memref_slice %arg7[%dma_start3A_21, %dma_start3A_22] : memref<2048x128xf32, #tpu.memory_space<vmem_shared>> -> memref<2048x128xf32, #tpu.memory_space<vmem_shared>>
    tpu.enqueue_indirect_dma source(%dma_start3A_23 : memref<2048x128xf32, #tpu.memory_space<vmem_shared>>) target(%dma_start3A_18 : memref<128x128xf32, #tpu.memory_space<vmem>>) offsets(%dma_start3A_20 : memref<128xi32, #tpu.memory_space<vmem>>) semaphore(%arg9 : memref<!tpu.dma_semaphore, #tpu.memory_space<semaphore_mem>>)
    %scan3A = arith.constant 0 : i32
    %scan3A_24 = arith.constant 0 : i32
    %scan3A_25 = arith.constant 40 : i32
    %scan3A_26 = arith.addi %scan3A_24, %scan3A_25 : i32
    %scan3A_27 = arith.constant 1 : i32
    scf.for %scan3A_73 = %scan3A_24 to %scan3A_26 step %scan3A_27  : i32 {
      %mul3A_74 = arith.constant 5 : i32
      %mul3A_75 = arith.muli %scan3A_73, %mul3A_74 : i32
      %add3A_76 = arith.constant 0 : i32
      %add3A_77 = arith.addi %mul3A_75, %add3A_76 : i32
      %add3A_78 = arith.constant 2 : i32
      %add3A_79 = arith.addi %add3A_77, %add3A_78 : i32
      %ge3A = arith.constant 5 : i32
      %ge3A_80 = arith.cmpi sge, %add3A_79, %ge3A : i32
      %convert_element_type3A_81 = arith.extui %ge3A_80 : i1 to i32
      %cond3A_82 = arith.constant 0 : i32
      %cond3A_83 = arith.cmpi ne, %convert_element_type3A_81, %cond3A_82 : i32
      scf.if %cond3A_83 {
        %sub3A = arith.constant 5 : i32
        %sub3A_287 = arith.subi %add3A_79, %sub3A : i32
        %mul3A_288 = arith.constant 128 : i32
        %mul3A_289 = arith.muli %sub3A_287, %mul3A_288 : i32
        %add3A_290 = arith.addi %mul3A_2, %mul3A_289 : i32
        %dma_wait3A_291 = arith.constant 2 : i32
        %dma_wait3A_292 = arith.constant 0 : i32
        %dma_wait3A_293 = arith.constant 0 : i32
        %dma_wait3A_294 = tpu.memref_slice %arg6[%dma_wait3A_291, %dma_wait3A_292, %dma_wait3A_293] : memref<5x128x128xf32, #tpu.memory_space<vmem>> -> memref<1x128x128xf32, #tpu.memory_space<vmem>>
        %dma_wait3A_295 = tpu.memref_squeeze %dma_wait3A_294 : memref<1x128x128xf32, #tpu.memory_space<vmem>> -> memref<128x128xf32, #tpu.memory_space<vmem>>
        %dma_wait3A_296 = arith.constant 0 : i32
        %dma_wait3A_297 = tpu.memref_slice %arg4[%add3A_290, %dma_wait3A_296] : memref<819200x128xf32, #tpu.memory_space<hbm>> -> memref<128x128xf32, #tpu.memory_space<hbm>>
        %dma_wait3A_298 = arith.constant 0 : i32
        %dma_wait3A_299 = tpu.memref_slice %arg4[%add3A_290, %dma_wait3A_298] : memref<819200x128xf32, #tpu.memory_space<hbm>> -> memref<128x128xf32, #tpu.memory_space<hbm>>
        %dma_wait3A_300 = arith.constant 0 : i32
        %dma_wait3A_301 = arith.constant 0 : i32
        %dma_wait3A_302 = tpu.memref_slice %arg6[%dma_wait3A_291, %dma_wait3A_300, %dma_wait3A_301] : memref<5x128x128xf32, #tpu.memory_space<vmem>> -> memref<1x128x128xf32, #tpu.memory_space<vmem>>
        %dma_wait3A_303 = tpu.memref_squeeze %dma_wait3A_302 : memref<1x128x128xf32, #tpu.memory_space<vmem>> -> memref<128x128xf32, #tpu.memory_space<vmem>>
        tpu.wait_dma2 semaphore(%arg15 : memref<!tpu.dma_semaphore, #tpu.memory_space<semaphore_mem>>) src(%dma_wait3A_303 : memref<128x128xf32, #tpu.memory_space<vmem>>) dst(%dma_wait3A_299 : memref<128x128xf32, #tpu.memory_space<hbm>>)
      } else {
      }
      %lt3A = arith.constant 200 : i32
      %lt3A_84 = arith.cmpi slt, %add3A_79, %lt3A : i32
      %convert_element_type3A_85 = arith.extui %lt3A_84 : i1 to i32
      %cond3A_86 = arith.constant 0 : i32
      %cond3A_87 = arith.cmpi ne, %convert_element_type3A_85, %cond3A_86 : i32
      scf.if %cond3A_87 {
        %mul3A_287 = arith.constant 128 : i32
        %mul3A_288 = arith.muli %add3A_79, %mul3A_287 : i32
        %dma_start3A_289 = arith.constant 2 : i32
        %dma_start3A_290 = arith.constant 0 : i32
        %dma_start3A_291 = arith.constant 0 : i32
        %dma_start3A_292 = tpu.memref_slice %arg6[%dma_start3A_289, %dma_start3A_290, %dma_start3A_291] : memref<5x128x128xf32, #tpu.memory_space<vmem>> -> memref<1x128x128xf32, #tpu.memory_space<vmem>>
        %dma_start3A_293 = tpu.memref_squeeze %dma_start3A_292 : memref<1x128x128xf32, #tpu.memory_space<vmem>> -> memref<128x128xf32, #tpu.memory_space<vmem>>
        %dma_start3A_294 = tpu.memref_slice %arg5[%mul3A_288] : memref<25600xi32, #tpu.memory_space<vmem>> -> memref<128xi32, #tpu.memory_space<vmem>>
        %dma_start3A_295 = arith.constant 0 : i32
        %dma_start3A_296 = arith.constant 0 : i32
        %dma_start3A_297 = tpu.memref_slice %arg7[%dma_start3A_295, %dma_start3A_296] : memref<2048x128xf32, #tpu.memory_space<vmem_shared>> -> memref<2048x128xf32, #tpu.memory_space<vmem_shared>>
        tpu.enqueue_indirect_dma source(%dma_start3A_297 : memref<2048x128xf32, #tpu.memory_space<vmem_shared>>) target(%dma_start3A_293 : memref<128x128xf32, #tpu.memory_space<vmem>>) offsets(%dma_start3A_294 : memref<128xi32, #tpu.memory_space<vmem>>) semaphore(%arg10 : memref<!tpu.dma_semaphore, #tpu.memory_space<semaphore_mem>>)
      } else {
      }
      %mul3A_88 = arith.constant 128 : i32
      %mul3A_89 = arith.muli %add3A_77, %mul3A_88 : i32
      %dma_wait3A_90 = arith.constant 0 : i32
      %dma_wait3A_91 = arith.constant 0 : i32
      %dma_wait3A_92 = arith.constant 0 : i32
      %dma_wait3A_93 = tpu.memref_slice %arg6[%dma_wait3A_90, %dma_wait3A_91, %dma_wait3A_92] : memref<5x128x128xf32, #tpu.memory_space<vmem>> -> memref<1x128x128xf32, #tpu.memory_space<vmem>>
      %dma_wait3A_94 = tpu.memref_squeeze %dma_wait3A_93 : memref<1x128x128xf32, #tpu.memory_space<vmem>> -> memref<128x128xf32, #tpu.memory_space<vmem>>
      %dma_wait3A_95 = tpu.memref_slice %arg5[%mul3A_89] : memref<25600xi32, #tpu.memory_space<vmem>> -> memref<128xi32, #tpu.memory_space<vmem>>
      %dma_wait3A_96 = arith.constant 0 : i32
      %dma_wait3A_97 = arith.constant 0 : i32
      %dma_wait3A_98 = tpu.memref_slice %arg7[%dma_wait3A_96, %dma_wait3A_97] : memref<2048x128xf32, #tpu.memory_space<vmem_shared>> -> memref<2048x128xf32, #tpu.memory_space<vmem_shared>>
      tpu.wait_indirect_dma semaphore(%arg8 : memref<!tpu.dma_semaphore, #tpu.memory_space<semaphore_mem>>) src(%dma_wait3A_98 : memref<2048x128xf32, #tpu.memory_space<vmem_shared>>) dst(%dma_wait3A_94 : memref<128x128xf32, #tpu.memory_space<vmem>>)
      %mul3A_99 = arith.constant 128 : i32
      %mul3A_100 = arith.muli %add3A_77, %mul3A_99 : i32
      %add3A_101 = arith.addi %mul3A_2, %mul3A_100 : i32
      %dma_start3A_102 = arith.constant 0 : i32
      %dma_start3A_103 = arith.constant 0 : i32
      %dma_start3A_104 = arith.constant 0 : i32
      %dma_start3A_105 = tpu.memref_slice %arg6[%dma_start3A_102, %dma_start3A_103, %dma_start3A_104] : memref<5x128x128xf32, #tpu.memory_space<vmem>> -> memref<1x128x128xf32, #tpu.memory_space<vmem>>
      %dma_start3A_106 = tpu.memref_squeeze %dma_start3A_105 : memref<1x128x128xf32, #tpu.memory_space<vmem>> -> memref<128x128xf32, #tpu.memory_space<vmem>>
      %dma_start3A_107 = arith.constant 0 : i32
      %dma_start3A_108 = tpu.memref_slice %arg4[%add3A_101, %dma_start3A_107] : memref<819200x128xf32, #tpu.memory_space<hbm>> -> memref<128x128xf32, #tpu.memory_space<hbm>>
      %dma_start3A_109 = arith.constant 0 : i32
      %dma_start3A_110 = tpu.memref_slice %arg4[%add3A_101, %dma_start3A_109] : memref<819200x128xf32, #tpu.memory_space<hbm>> -> memref<128x128xf32, #tpu.memory_space<hbm>>
      %dma_start3A_111 = arith.constant 0 : i32
      %dma_start3A_112 = arith.constant 0 : i32
      %dma_start3A_113 = tpu.memref_slice %arg6[%dma_start3A_102, %dma_start3A_111, %dma_start3A_112] : memref<5x128x128xf32, #tpu.memory_space<vmem>> -> memref<1x128x128xf32, #tpu.memory_space<vmem>>
      %dma_start3A_114 = tpu.memref_squeeze %dma_start3A_113 : memref<1x128x128xf32, #tpu.memory_space<vmem>> -> memref<128x128xf32, #tpu.memory_space<vmem>>
      tpu.enqueue_dma source(%dma_start3A_114 : memref<128x128xf32, #tpu.memory_space<vmem>>) target(%dma_start3A_110 : memref<128x128xf32, #tpu.memory_space<hbm>>) target_semaphore(%arg13 : memref<!tpu.dma_semaphore, #tpu.memory_space<semaphore_mem>>)
      %mul3A_115 = arith.constant 5 : i32
      %mul3A_116 = arith.muli %scan3A_73, %mul3A_115 : i32
      %add3A_117 = arith.constant 1 : i32
      %add3A_118 = arith.addi %mul3A_116, %add3A_117 : i32
      %add3A_119 = arith.constant 2 : i32
      %add3A_120 = arith.addi %add3A_118, %add3A_119 : i32
      %ge3A_121 = arith.constant 5 : i32
      %ge3A_122 = arith.cmpi sge, %add3A_120, %ge3A_121 : i32
      %convert_element_type3A_123 = arith.extui %ge3A_122 : i1 to i32
      %cond3A_124 = arith.constant 0 : i32
      %cond3A_125 = arith.cmpi ne, %convert_element_type3A_123, %cond3A_124 : i32
      scf.if %cond3A_125 {
        %sub3A = arith.constant 5 : i32
        %sub3A_287 = arith.subi %add3A_120, %sub3A : i32
        %mul3A_288 = arith.constant 128 : i32
        %mul3A_289 = arith.muli %sub3A_287, %mul3A_288 : i32
        %add3A_290 = arith.addi %mul3A_2, %mul3A_289 : i32
        %dma_wait3A_291 = arith.constant 3 : i32
        %dma_wait3A_292 = arith.constant 0 : i32
        %dma_wait3A_293 = arith.constant 0 : i32
        %dma_wait3A_294 = tpu.memref_slice %arg6[%dma_wait3A_291, %dma_wait3A_292, %dma_wait3A_293] : memref<5x128x128xf32, #tpu.memory_space<vmem>> -> memref<1x128x128xf32, #tpu.memory_space<vmem>>
        %dma_wait3A_295 = tpu.memref_squeeze %dma_wait3A_294 : memref<1x128x128xf32, #tpu.memory_space<vmem>> -> memref<128x128xf32, #tpu.memory_space<vmem>>
        %dma_wait3A_296 = arith.constant 0 : i32
        %dma_wait3A_297 = tpu.memref_slice %arg4[%add3A_290, %dma_wait3A_296] : memref<819200x128xf32, #tpu.memory_space<hbm>> -> memref<128x128xf32, #tpu.memory_space<hbm>>
        %dma_wait3A_298 = arith.constant 0 : i32
        %dma_wait3A_299 = tpu.memref_slice %arg4[%add3A_290, %dma_wait3A_298] : memref<819200x128xf32, #tpu.memory_space<hbm>> -> memref<128x128xf32, #tpu.memory_space<hbm>>
        %dma_wait3A_300 = arith.constant 0 : i32
        %dma_wait3A_301 = arith.constant 0 : i32
        %dma_wait3A_302 = tpu.memref_slice %arg6[%dma_wait3A_291, %dma_wait3A_300, %dma_wait3A_301] : memref<5x128x128xf32, #tpu.memory_space<vmem>> -> memref<1x128x128xf32, #tpu.memory_space<vmem>>
        %dma_wait3A_303 = tpu.memref_squeeze %dma_wait3A_302 : memref<1x128x128xf32, #tpu.memory_space<vmem>> -> memref<128x128xf32, #tpu.memory_space<vmem>>
        tpu.wait_dma2 semaphore(%arg16 : memref<!tpu.dma_semaphore, #tpu.memory_space<semaphore_mem>>) src(%dma_wait3A_303 : memref<128x128xf32, #tpu.memory_space<vmem>>) dst(%dma_wait3A_299 : memref<128x128xf32, #tpu.memory_space<hbm>>)
      } else {
      }
      %lt3A_126 = arith.constant 200 : i32
      %lt3A_127 = arith.cmpi slt, %add3A_120, %lt3A_126 : i32
      %convert_element_type3A_128 = arith.extui %lt3A_127 : i1 to i32
      %cond3A_129 = arith.constant 0 : i32
      %cond3A_130 = arith.cmpi ne, %convert_element_type3A_128, %cond3A_129 : i32
      scf.if %cond3A_130 {
        %mul3A_287 = arith.constant 128 : i32
        %mul3A_288 = arith.muli %add3A_120, %mul3A_287 : i32
        %dma_start3A_289 = arith.constant 3 : i32
        %dma_start3A_290 = arith.constant 0 : i32
        %dma_start3A_291 = arith.constant 0 : i32
        %dma_start3A_292 = tpu.memref_slice %arg6[%dma_start3A_289, %dma_start3A_290, %dma_start3A_291] : memref<5x128x128xf32, #tpu.memory_space<vmem>> -> memref<1x128x128xf32, #tpu.memory_space<vmem>>
        %dma_start3A_293 = tpu.memref_squeeze %dma_start3A_292 : memref<1x128x128xf32, #tpu.memory_space<vmem>> -> memref<128x128xf32, #tpu.memory_space<vmem>>
        %dma_start3A_294 = tpu.memref_slice %arg5[%mul3A_288] : memref<25600xi32, #tpu.memory_space<vmem>> -> memref<128xi32, #tpu.memory_space<vmem>>
        %dma_start3A_295 = arith.constant 0 : i32
        %dma_start3A_296 = arith.constant 0 : i32
        %dma_start3A_297 = tpu.memref_slice %arg7[%dma_start3A_295, %dma_start3A_296] : memref<2048x128xf32, #tpu.memory_space<vmem_shared>> -> memref<2048x128xf32, #tpu.memory_space<vmem_shared>>
        tpu.enqueue_indirect_dma source(%dma_start3A_297 : memref<2048x128xf32, #tpu.memory_space<vmem_shared>>) target(%dma_start3A_293 : memref<128x128xf32, #tpu.memory_space<vmem>>) offsets(%dma_start3A_294 : memref<128xi32, #tpu.memory_space<vmem>>) semaphore(%arg11 : memref<!tpu.dma_semaphore, #tpu.memory_space<semaphore_mem>>)
      } else {
      }
      %mul3A_131 = arith.constant 128 : i32
      %mul3A_132 = arith.muli %add3A_118, %mul3A_131 : i32
      %dma_wait3A_133 = arith.constant 1 : i32
      %dma_wait3A_134 = arith.constant 0 : i32
      %dma_wait3A_135 = arith.constant 0 : i32
      %dma_wait3A_136 = tpu.memref_slice %arg6[%dma_wait3A_133, %dma_wait3A_134, %dma_wait3A_135] : memref<5x128x128xf32, #tpu.memory_space<vmem>> -> memref<1x128x128xf32, #tpu.memory_space<vmem>>
      %dma_wait3A_137 = tpu.memref_squeeze %dma_wait3A_136 : memref<1x128x128xf32, #tpu.memory_space<vmem>> -> memref<128x128xf32, #tpu.memory_space<vmem>>
      %dma_wait3A_138 = tpu.memref_slice %arg5[%mul3A_132] : memref<25600xi32, #tpu.memory_space<vmem>> -> memref<128xi32, #tpu.memory_space<vmem>>
      %dma_wait3A_139 = arith.constant 0 : i32
      %dma_wait3A_140 = arith.constant 0 : i32
      %dma_wait3A_141 = tpu.memref_slice %arg7[%dma_wait3A_139, %dma_wait3A_140] : memref<2048x128xf32, #tpu.memory_space<vmem_shared>> -> memref<2048x128xf32, #tpu.memory_space<vmem_shared>>
      tpu.wait_indirect_dma semaphore(%arg9 : memref<!tpu.dma_semaphore, #tpu.memory_space<semaphore_mem>>) src(%dma_wait3A_141 : memref<2048x128xf32, #tpu.memory_space<vmem_shared>>) dst(%dma_wait3A_137 : memref<128x128xf32, #tpu.memory_space<vmem>>)
      %mul3A_142 = arith.constant 128 : i32
      %mul3A_143 = arith.muli %add3A_118, %mul3A_142 : i32
      %add3A_144 = arith.addi %mul3A_2, %mul3A_143 : i32
      %dma_start3A_145 = arith.constant 1 : i32
      %dma_start3A_146 = arith.constant 0 : i32
      %dma_start3A_147 = arith.constant 0 : i32
      %dma_start3A_148 = tpu.memref_slice %arg6[%dma_start3A_145, %dma_start3A_146, %dma_start3A_147] : memref<5x128x128xf32, #tpu.memory_space<vmem>> -> memref<1x128x128xf32, #tpu.memory_space<vmem>>
      %dma_start3A_149 = tpu.memref_squeeze %dma_start3A_148 : memref<1x128x128xf32, #tpu.memory_space<vmem>> -> memref<128x128xf32, #tpu.memory_space<vmem>>
      %dma_start3A_150 = arith.constant 0 : i32
      %dma_start3A_151 = tpu.memref_slice %arg4[%add3A_144, %dma_start3A_150] : memref<819200x128xf32, #tpu.memory_space<hbm>> -> memref<128x128xf32, #tpu.memory_space<hbm>>
      %dma_start3A_152 = arith.constant 0 : i32
      %dma_start3A_153 = tpu.memref_slice %arg4[%add3A_144, %dma_start3A_152] : memref<819200x128xf32, #tpu.memory_space<hbm>> -> memref<128x128xf32, #tpu.memory_space<hbm>>
      %dma_start3A_154 = arith.constant 0 : i32
      %dma_start3A_155 = arith.constant 0 : i32
      %dma_start3A_156 = tpu.memref_slice %arg6[%dma_start3A_145, %dma_start3A_154, %dma_start3A_155] : memref<5x128x128xf32, #tpu.memory_space<vmem>> -> memref<1x128x128xf32, #tpu.memory_space<vmem>>
      %dma_start3A_157 = tpu.memref_squeeze %dma_start3A_156 : memref<1x128x128xf32, #tpu.memory_space<vmem>> -> memref<128x128xf32, #tpu.memory_space<vmem>>
      tpu.enqueue_dma source(%dma_start3A_157 : memref<128x128xf32, #tpu.memory_space<vmem>>) target(%dma_start3A_153 : memref<128x128xf32, #tpu.memory_space<hbm>>) target_semaphore(%arg14 : memref<!tpu.dma_semaphore, #tpu.memory_space<semaphore_mem>>)
      %mul3A_158 = arith.constant 5 : i32
      %mul3A_159 = arith.muli %scan3A_73, %mul3A_158 : i32
      %add3A_160 = arith.constant 2 : i32
      %add3A_161 = arith.addi %mul3A_159, %add3A_160 : i32
      %add3A_162 = arith.constant 2 : i32
      %add3A_163 = arith.addi %add3A_161, %add3A_162 : i32
      %ge3A_164 = arith.constant 5 : i32
      %ge3A_165 = arith.cmpi sge, %add3A_163, %ge3A_164 : i32
      %convert_element_type3A_166 = arith.extui %ge3A_165 : i1 to i32
      %cond3A_167 = arith.constant 0 : i32
      %cond3A_168 = arith.cmpi ne, %convert_element_type3A_166, %cond3A_167 : i32
      scf.if %cond3A_168 {
        %sub3A = arith.constant 5 : i32
        %sub3A_287 = arith.subi %add3A_163, %sub3A : i32
        %mul3A_288 = arith.constant 128 : i32
        %mul3A_289 = arith.muli %sub3A_287, %mul3A_288 : i32
        %add3A_290 = arith.addi %mul3A_2, %mul3A_289 : i32
        %dma_wait3A_291 = arith.constant 4 : i32
        %dma_wait3A_292 = arith.constant 0 : i32
        %dma_wait3A_293 = arith.constant 0 : i32
        %dma_wait3A_294 = tpu.memref_slice %arg6[%dma_wait3A_291, %dma_wait3A_292, %dma_wait3A_293] : memref<5x128x128xf32, #tpu.memory_space<vmem>> -> memref<1x128x128xf32, #tpu.memory_space<vmem>>
        %dma_wait3A_295 = tpu.memref_squeeze %dma_wait3A_294 : memref<1x128x128xf32, #tpu.memory_space<vmem>> -> memref<128x128xf32, #tpu.memory_space<vmem>>
        %dma_wait3A_296 = arith.constant 0 : i32
        %dma_wait3A_297 = tpu.memref_slice %arg4[%add3A_290, %dma_wait3A_296] : memref<819200x128xf32, #tpu.memory_space<hbm>> -> memref<128x128xf32, #tpu.memory_space<hbm>>
        %dma_wait3A_298 = arith.constant 0 : i32
        %dma_wait3A_299 = tpu.memref_slice %arg4[%add3A_290, %dma_wait3A_298] : memref<819200x128xf32, #tpu.memory_space<hbm>> -> memref<128x128xf32, #tpu.memory_space<hbm>>
        %dma_wait3A_300 = arith.constant 0 : i32
        %dma_wait3A_301 = arith.constant 0 : i32
        %dma_wait3A_302 = tpu.memref_slice %arg6[%dma_wait3A_291, %dma_wait3A_300, %dma_wait3A_301] : memref<5x128x128xf32, #tpu.memory_space<vmem>> -> memref<1x128x128xf32, #tpu.memory_space<vmem>>
        %dma_wait3A_303 = tpu.memref_squeeze %dma_wait3A_302 : memref<1x128x128xf32, #tpu.memory_space<vmem>> -> memref<128x128xf32, #tpu.memory_space<vmem>>
        tpu.wait_dma2 semaphore(%arg17 : memref<!tpu.dma_semaphore, #tpu.memory_space<semaphore_mem>>) src(%dma_wait3A_303 : memref<128x128xf32, #tpu.memory_space<vmem>>) dst(%dma_wait3A_299 : memref<128x128xf32, #tpu.memory_space<hbm>>)
      } else {
      }
      %lt3A_169 = arith.constant 200 : i32
      %lt3A_170 = arith.cmpi slt, %add3A_163, %lt3A_169 : i32
      %convert_element_type3A_171 = arith.extui %lt3A_170 : i1 to i32
      %cond3A_172 = arith.constant 0 : i32
      %cond3A_173 = arith.cmpi ne, %convert_element_type3A_171, %cond3A_172 : i32
      scf.if %cond3A_173 {
        %mul3A_287 = arith.constant 128 : i32
        %mul3A_288 = arith.muli %add3A_163, %mul3A_287 : i32
        %dma_start3A_289 = arith.constant 4 : i32
        %dma_start3A_290 = arith.constant 0 : i32
        %dma_start3A_291 = arith.constant 0 : i32
        %dma_start3A_292 = tpu.memref_slice %arg6[%dma_start3A_289, %dma_start3A_290, %dma_start3A_291] : memref<5x128x128xf32, #tpu.memory_space<vmem>> -> memref<1x128x128xf32, #tpu.memory_space<vmem>>
        %dma_start3A_293 = tpu.memref_squeeze %dma_start3A_292 : memref<1x128x128xf32, #tpu.memory_space<vmem>> -> memref<128x128xf32, #tpu.memory_space<vmem>>
        %dma_start3A_294 = tpu.memref_slice %arg5[%mul3A_288] : memref<25600xi32, #tpu.memory_space<vmem>> -> memref<128xi32, #tpu.memory_space<vmem>>
        %dma_start3A_295 = arith.constant 0 : i32
        %dma_start3A_296 = arith.constant 0 : i32
        %dma_start3A_297 = tpu.memref_slice %arg7[%dma_start3A_295, %dma_start3A_296] : memref<2048x128xf32, #tpu.memory_space<vmem_shared>> -> memref<2048x128xf32, #tpu.memory_space<vmem_shared>>
        tpu.enqueue_indirect_dma source(%dma_start3A_297 : memref<2048x128xf32, #tpu.memory_space<vmem_shared>>) target(%dma_start3A_293 : memref<128x128xf32, #tpu.memory_space<vmem>>) offsets(%dma_start3A_294 : memref<128xi32, #tpu.memory_space<vmem>>) semaphore(%arg12 : memref<!tpu.dma_semaphore, #tpu.memory_space<semaphore_mem>>)
      } else {
      }
      %mul3A_174 = arith.constant 128 : i32
      %mul3A_175 = arith.muli %add3A_161, %mul3A_174 : i32
      %dma_wait3A_176 = arith.constant 2 : i32
      %dma_wait3A_177 = arith.constant 0 : i32
      %dma_wait3A_178 = arith.constant 0 : i32
      %dma_wait3A_179 = tpu.memref_slice %arg6[%dma_wait3A_176, %dma_wait3A_177, %dma_wait3A_178] : memref<5x128x128xf32, #tpu.memory_space<vmem>> -> memref<1x128x128xf32, #tpu.memory_space<vmem>>
      %dma_wait3A_180 = tpu.memref_squeeze %dma_wait3A_179 : memref<1x128x128xf32, #tpu.memory_space<vmem>> -> memref<128x128xf32, #tpu.memory_space<vmem>>
      %dma_wait3A_181 = tpu.memref_slice %arg5[%mul3A_175] : memref<25600xi32, #tpu.memory_space<vmem>> -> memref<128xi32, #tpu.memory_space<vmem>>
      %dma_wait3A_182 = arith.constant 0 : i32
      %dma_wait3A_183 = arith.constant 0 : i32
      %dma_wait3A_184 = tpu.memref_slice %arg7[%dma_wait3A_182, %dma_wait3A_183] : memref<2048x128xf32, #tpu.memory_space<vmem_shared>> -> memref<2048x128xf32, #tpu.memory_space<vmem_shared>>
      tpu.wait_indirect_dma semaphore(%arg10 : memref<!tpu.dma_semaphore, #tpu.memory_space<semaphore_mem>>) src(%dma_wait3A_184 : memref<2048x128xf32, #tpu.memory_space<vmem_shared>>) dst(%dma_wait3A_180 : memref<128x128xf32, #tpu.memory_space<vmem>>)
      %mul3A_185 = arith.constant 128 : i32
      %mul3A_186 = arith.muli %add3A_161, %mul3A_185 : i32
      %add3A_187 = arith.addi %mul3A_2, %mul3A_186 : i32
      %dma_start3A_188 = arith.constant 2 : i32
      %dma_start3A_189 = arith.constant 0 : i32
      %dma_start3A_190 = arith.constant 0 : i32
      %dma_start3A_191 = tpu.memref_slice %arg6[%dma_start3A_188, %dma_start3A_189, %dma_start3A_190] : memref<5x128x128xf32, #tpu.memory_space<vmem>> -> memref<1x128x128xf32, #tpu.memory_space<vmem>>
      %dma_start3A_192 = tpu.memref_squeeze %dma_start3A_191 : memref<1x128x128xf32, #tpu.memory_space<vmem>> -> memref<128x128xf32, #tpu.memory_space<vmem>>
      %dma_start3A_193 = arith.constant 0 : i32
      %dma_start3A_194 = tpu.memref_slice %arg4[%add3A_187, %dma_start3A_193] : memref<819200x128xf32, #tpu.memory_space<hbm>> -> memref<128x128xf32, #tpu.memory_space<hbm>>
      %dma_start3A_195 = arith.constant 0 : i32
      %dma_start3A_196 = tpu.memref_slice %arg4[%add3A_187, %dma_start3A_195] : memref<819200x128xf32, #tpu.memory_space<hbm>> -> memref<128x128xf32, #tpu.memory_space<hbm>>
      %dma_start3A_197 = arith.constant 0 : i32
      %dma_start3A_198 = arith.constant 0 : i32
      %dma_start3A_199 = tpu.memref_slice %arg6[%dma_start3A_188, %dma_start3A_197, %dma_start3A_198] : memref<5x128x128xf32, #tpu.memory_space<vmem>> -> memref<1x128x128xf32, #tpu.memory_space<vmem>>
      %dma_start3A_200 = tpu.memref_squeeze %dma_start3A_199 : memref<1x128x128xf32, #tpu.memory_space<vmem>> -> memref<128x128xf32, #tpu.memory_space<vmem>>
      tpu.enqueue_dma source(%dma_start3A_200 : memref<128x128xf32, #tpu.memory_space<vmem>>) target(%dma_start3A_196 : memref<128x128xf32, #tpu.memory_space<hbm>>) target_semaphore(%arg15 : memref<!tpu.dma_semaphore, #tpu.memory_space<semaphore_mem>>)
      %mul3A_201 = arith.constant 5 : i32
      %mul3A_202 = arith.muli %scan3A_73, %mul3A_201 : i32
      %add3A_203 = arith.constant 3 : i32
      %add3A_204 = arith.addi %mul3A_202, %add3A_203 : i32
      %add3A_205 = arith.constant 2 : i32
      %add3A_206 = arith.addi %add3A_204, %add3A_205 : i32
      %ge3A_207 = arith.constant 5 : i32
      %ge3A_208 = arith.cmpi sge, %add3A_206, %ge3A_207 : i32
      %convert_element_type3A_209 = arith.extui %ge3A_208 : i1 to i32
      %cond3A_210 = arith.constant 0 : i32
      %cond3A_211 = arith.cmpi ne, %convert_element_type3A_209, %cond3A_210 : i32
      scf.if %cond3A_211 {
        %sub3A = arith.constant 5 : i32
        %sub3A_287 = arith.subi %add3A_206, %sub3A : i32
        %mul3A_288 = arith.constant 128 : i32
        %mul3A_289 = arith.muli %sub3A_287, %mul3A_288 : i32
        %add3A_290 = arith.addi %mul3A_2, %mul3A_289 : i32
        %dma_wait3A_291 = arith.constant 0 : i32
        %dma_wait3A_292 = arith.constant 0 : i32
        %dma_wait3A_293 = arith.constant 0 : i32
        %dma_wait3A_294 = tpu.memref_slice %arg6[%dma_wait3A_291, %dma_wait3A_292, %dma_wait3A_293] : memref<5x128x128xf32, #tpu.memory_space<vmem>> -> memref<1x128x128xf32, #tpu.memory_space<vmem>>
        %dma_wait3A_295 = tpu.memref_squeeze %dma_wait3A_294 : memref<1x128x128xf32, #tpu.memory_space<vmem>> -> memref<128x128xf32, #tpu.memory_space<vmem>>
        %dma_wait3A_296 = arith.constant 0 : i32
        %dma_wait3A_297 = tpu.memref_slice %arg4[%add3A_290, %dma_wait3A_296] : memref<819200x128xf32, #tpu.memory_space<hbm>> -> memref<128x128xf32, #tpu.memory_space<hbm>>
        %dma_wait3A_298 = arith.constant 0 : i32
        %dma_wait3A_299 = tpu.memref_slice %arg4[%add3A_290, %dma_wait3A_298] : memref<819200x128xf32, #tpu.memory_space<hbm>> -> memref<128x128xf32, #tpu.memory_space<hbm>>
        %dma_wait3A_300 = arith.constant 0 : i32
        %dma_wait3A_301 = arith.constant 0 : i32
        %dma_wait3A_302 = tpu.memref_slice %arg6[%dma_wait3A_291, %dma_wait3A_300, %dma_wait3A_301] : memref<5x128x128xf32, #tpu.memory_space<vmem>> -> memref<1x128x128xf32, #tpu.memory_space<vmem>>
        %dma_wait3A_303 = tpu.memref_squeeze %dma_wait3A_302 : memref<1x128x128xf32, #tpu.memory_space<vmem>> -> memref<128x128xf32, #tpu.memory_space<vmem>>
        tpu.wait_dma2 semaphore(%arg13 : memref<!tpu.dma_semaphore, #tpu.memory_space<semaphore_mem>>) src(%dma_wait3A_303 : memref<128x128xf32, #tpu.memory_space<vmem>>) dst(%dma_wait3A_299 : memref<128x128xf32, #tpu.memory_space<hbm>>)
      } else {
      }
      %lt3A_212 = arith.constant 200 : i32
      %lt3A_213 = arith.cmpi slt, %add3A_206, %lt3A_212 : i32
      %convert_element_type3A_214 = arith.extui %lt3A_213 : i1 to i32
      %cond3A_215 = arith.constant 0 : i32
      %cond3A_216 = arith.cmpi ne, %convert_element_type3A_214, %cond3A_215 : i32
      scf.if %cond3A_216 {
        %mul3A_287 = arith.constant 128 : i32
        %mul3A_288 = arith.muli %add3A_206, %mul3A_287 : i32
        %dma_start3A_289 = arith.constant 0 : i32
        %dma_start3A_290 = arith.constant 0 : i32
        %dma_start3A_291 = arith.constant 0 : i32
        %dma_start3A_292 = tpu.memref_slice %arg6[%dma_start3A_289, %dma_start3A_290, %dma_start3A_291] : memref<5x128x128xf32, #tpu.memory_space<vmem>> -> memref<1x128x128xf32, #tpu.memory_space<vmem>>
        %dma_start3A_293 = tpu.memref_squeeze %dma_start3A_292 : memref<1x128x128xf32, #tpu.memory_space<vmem>> -> memref<128x128xf32, #tpu.memory_space<vmem>>
        %dma_start3A_294 = tpu.memref_slice %arg5[%mul3A_288] : memref<25600xi32, #tpu.memory_space<vmem>> -> memref<128xi32, #tpu.memory_space<vmem>>
        %dma_start3A_295 = arith.constant 0 : i32
        %dma_start3A_296 = arith.constant 0 : i32
        %dma_start3A_297 = tpu.memref_slice %arg7[%dma_start3A_295, %dma_start3A_296] : memref<2048x128xf32, #tpu.memory_space<vmem_shared>> -> memref<2048x128xf32, #tpu.memory_space<vmem_shared>>
        tpu.enqueue_indirect_dma source(%dma_start3A_297 : memref<2048x128xf32, #tpu.memory_space<vmem_shared>>) target(%dma_start3A_293 : memref<128x128xf32, #tpu.memory_space<vmem>>) offsets(%dma_start3A_294 : memref<128xi32, #tpu.memory_space<vmem>>) semaphore(%arg8 : memref<!tpu.dma_semaphore, #tpu.memory_space<semaphore_mem>>)
      } else {
      }
      %mul3A_217 = arith.constant 128 : i32
      %mul3A_218 = arith.muli %add3A_204, %mul3A_217 : i32
      %dma_wait3A_219 = arith.constant 3 : i32
      %dma_wait3A_220 = arith.constant 0 : i32
      %dma_wait3A_221 = arith.constant 0 : i32
      %dma_wait3A_222 = tpu.memref_slice %arg6[%dma_wait3A_219, %dma_wait3A_220, %dma_wait3A_221] : memref<5x128x128xf32, #tpu.memory_space<vmem>> -> memref<1x128x128xf32, #tpu.memory_space<vmem>>
      %dma_wait3A_223 = tpu.memref_squeeze %dma_wait3A_222 : memref<1x128x128xf32, #tpu.memory_space<vmem>> -> memref<128x128xf32, #tpu.memory_space<vmem>>
      %dma_wait3A_224 = tpu.memref_slice %arg5[%mul3A_218] : memref<25600xi32, #tpu.memory_space<vmem>> -> memref<128xi32, #tpu.memory_space<vmem>>
      %dma_wait3A_225 = arith.constant 0 : i32
      %dma_wait3A_226 = arith.constant 0 : i32
      %dma_wait3A_227 = tpu.memref_slice %arg7[%dma_wait3A_225, %dma_wait3A_226] : memref<2048x128xf32, #tpu.memory_space<vmem_shared>> -> memref<2048x128xf32, #tpu.memory_space<vmem_shared>>
      tpu.wait_indirect_dma semaphore(%arg11 : memref<!tpu.dma_semaphore, #tpu.memory_space<semaphore_mem>>) src(%dma_wait3A_227 : memref<2048x128xf32, #tpu.memory_space<vmem_shared>>) dst(%dma_wait3A_223 : memref<128x128xf32, #tpu.memory_space<vmem>>)
      %mul3A_228 = arith.constant 128 : i32
      %mul3A_229 = arith.muli %add3A_204, %mul3A_228 : i32
      %add3A_230 = arith.addi %mul3A_2, %mul3A_229 : i32
      %dma_start3A_231 = arith.constant 3 : i32
      %dma_start3A_232 = arith.constant 0 : i32
      %dma_start3A_233 = arith.constant 0 : i32
      %dma_start3A_234 = tpu.memref_slice %arg6[%dma_start3A_231, %dma_start3A_232, %dma_start3A_233] : memref<5x128x128xf32, #tpu.memory_space<vmem>> -> memref<1x128x128xf32, #tpu.memory_space<vmem>>
      %dma_start3A_235 = tpu.memref_squeeze %dma_start3A_234 : memref<1x128x128xf32, #tpu.memory_space<vmem>> -> memref<128x128xf32, #tpu.memory_space<vmem>>
      %dma_start3A_236 = arith.constant 0 : i32
      %dma_start3A_237 = tpu.memref_slice %arg4[%add3A_230, %dma_start3A_236] : memref<819200x128xf32, #tpu.memory_space<hbm>> -> memref<128x128xf32, #tpu.memory_space<hbm>>
      %dma_start3A_238 = arith.constant 0 : i32
      %dma_start3A_239 = tpu.memref_slice %arg4[%add3A_230, %dma_start3A_238] : memref<819200x128xf32, #tpu.memory_space<hbm>> -> memref<128x128xf32, #tpu.memory_space<hbm>>
      %dma_start3A_240 = arith.constant 0 : i32
      %dma_start3A_241 = arith.constant 0 : i32
      %dma_start3A_242 = tpu.memref_slice %arg6[%dma_start3A_231, %dma_start3A_240, %dma_start3A_241] : memref<5x128x128xf32, #tpu.memory_space<vmem>> -> memref<1x128x128xf32, #tpu.memory_space<vmem>>
      %dma_start3A_243 = tpu.memref_squeeze %dma_start3A_242 : memref<1x128x128xf32, #tpu.memory_space<vmem>> -> memref<128x128xf32, #tpu.memory_space<vmem>>
      tpu.enqueue_dma source(%dma_start3A_243 : memref<128x128xf32, #tpu.memory_space<vmem>>) target(%dma_start3A_239 : memref<128x128xf32, #tpu.memory_space<hbm>>) target_semaphore(%arg16 : memref<!tpu.dma_semaphore, #tpu.memory_space<semaphore_mem>>)
      %mul3A_244 = arith.constant 5 : i32
      %mul3A_245 = arith.muli %scan3A_73, %mul3A_244 : i32
      %add3A_246 = arith.constant 4 : i32
      %add3A_247 = arith.addi %mul3A_245, %add3A_246 : i32
      %add3A_248 = arith.constant 2 : i32
      %add3A_249 = arith.addi %add3A_247, %add3A_248 : i32
      %ge3A_250 = arith.constant 5 : i32
      %ge3A_251 = arith.cmpi sge, %add3A_249, %ge3A_250 : i32
      %convert_element_type3A_252 = arith.extui %ge3A_251 : i1 to i32
      %cond3A_253 = arith.constant 0 : i32
      %cond3A_254 = arith.cmpi ne, %convert_element_type3A_252, %cond3A_253 : i32
      scf.if %cond3A_254 {
        %sub3A = arith.constant 5 : i32
        %sub3A_287 = arith.subi %add3A_249, %sub3A : i32
        %mul3A_288 = arith.constant 128 : i32
        %mul3A_289 = arith.muli %sub3A_287, %mul3A_288 : i32
        %add3A_290 = arith.addi %mul3A_2, %mul3A_289 : i32
        %dma_wait3A_291 = arith.constant 1 : i32
        %dma_wait3A_292 = arith.constant 0 : i32
        %dma_wait3A_293 = arith.constant 0 : i32
        %dma_wait3A_294 = tpu.memref_slice %arg6[%dma_wait3A_291, %dma_wait3A_292, %dma_wait3A_293] : memref<5x128x128xf32, #tpu.memory_space<vmem>> -> memref<1x128x128xf32, #tpu.memory_space<vmem>>
        %dma_wait3A_295 = tpu.memref_squeeze %dma_wait3A_294 : memref<1x128x128xf32, #tpu.memory_space<vmem>> -> memref<128x128xf32, #tpu.memory_space<vmem>>
        %dma_wait3A_296 = arith.constant 0 : i32
        %dma_wait3A_297 = tpu.memref_slice %arg4[%add3A_290, %dma_wait3A_296] : memref<819200x128xf32, #tpu.memory_space<hbm>> -> memref<128x128xf32, #tpu.memory_space<hbm>>
        %dma_wait3A_298 = arith.constant 0 : i32
        %dma_wait3A_299 = tpu.memref_slice %arg4[%add3A_290, %dma_wait3A_298] : memref<819200x128xf32, #tpu.memory_space<hbm>> -> memref<128x128xf32, #tpu.memory_space<hbm>>
        %dma_wait3A_300 = arith.constant 0 : i32
        %dma_wait3A_301 = arith.constant 0 : i32
        %dma_wait3A_302 = tpu.memref_slice %arg6[%dma_wait3A_291, %dma_wait3A_300, %dma_wait3A_301] : memref<5x128x128xf32, #tpu.memory_space<vmem>> -> memref<1x128x128xf32, #tpu.memory_space<vmem>>
        %dma_wait3A_303 = tpu.memref_squeeze %dma_wait3A_302 : memref<1x128x128xf32, #tpu.memory_space<vmem>> -> memref<128x128xf32, #tpu.memory_space<vmem>>
        tpu.wait_dma2 semaphore(%arg14 : memref<!tpu.dma_semaphore, #tpu.memory_space<semaphore_mem>>) src(%dma_wait3A_303 : memref<128x128xf32, #tpu.memory_space<vmem>>) dst(%dma_wait3A_299 : memref<128x128xf32, #tpu.memory_space<hbm>>)
      } else {
      }
      %lt3A_255 = arith.constant 200 : i32
      %lt3A_256 = arith.cmpi slt, %add3A_249, %lt3A_255 : i32
      %convert_element_type3A_257 = arith.extui %lt3A_256 : i1 to i32
      %cond3A_258 = arith.constant 0 : i32
      %cond3A_259 = arith.cmpi ne, %convert_element_type3A_257, %cond3A_258 : i32
      scf.if %cond3A_259 {
        %mul3A_287 = arith.constant 128 : i32
        %mul3A_288 = arith.muli %add3A_249, %mul3A_287 : i32
        %dma_start3A_289 = arith.constant 1 : i32
        %dma_start3A_290 = arith.constant 0 : i32
        %dma_start3A_291 = arith.constant 0 : i32
        %dma_start3A_292 = tpu.memref_slice %arg6[%dma_start3A_289, %dma_start3A_290, %dma_start3A_291] : memref<5x128x128xf32, #tpu.memory_space<vmem>> -> memref<1x128x128xf32, #tpu.memory_space<vmem>>
        %dma_start3A_293 = tpu.memref_squeeze %dma_start3A_292 : memref<1x128x128xf32, #tpu.memory_space<vmem>> -> memref<128x128xf32, #tpu.memory_space<vmem>>
        %dma_start3A_294 = tpu.memref_slice %arg5[%mul3A_288] : memref<25600xi32, #tpu.memory_space<vmem>> -> memref<128xi32, #tpu.memory_space<vmem>>
        %dma_start3A_295 = arith.constant 0 : i32
        %dma_start3A_296 = arith.constant 0 : i32
        %dma_start3A_297 = tpu.memref_slice %arg7[%dma_start3A_295, %dma_start3A_296] : memref<2048x128xf32, #tpu.memory_space<vmem_shared>> -> memref<2048x128xf32, #tpu.memory_space<vmem_shared>>
        tpu.enqueue_indirect_dma source(%dma_start3A_297 : memref<2048x128xf32, #tpu.memory_space<vmem_shared>>) target(%dma_start3A_293 : memref<128x128xf32, #tpu.memory_space<vmem>>) offsets(%dma_start3A_294 : memref<128xi32, #tpu.memory_space<vmem>>) semaphore(%arg9 : memref<!tpu.dma_semaphore, #tpu.memory_space<semaphore_mem>>)
      } else {
      }
      %mul3A_260 = arith.constant 128 : i32
      %mul3A_261 = arith.muli %add3A_247, %mul3A_260 : i32
      %dma_wait3A_262 = arith.constant 4 : i32
      %dma_wait3A_263 = arith.constant 0 : i32
      %dma_wait3A_264 = arith.constant 0 : i32
      %dma_wait3A_265 = tpu.memref_slice %arg6[%dma_wait3A_262, %dma_wait3A_263, %dma_wait3A_264] : memref<5x128x128xf32, #tpu.memory_space<vmem>> -> memref<1x128x128xf32, #tpu.memory_space<vmem>>
      %dma_wait3A_266 = tpu.memref_squeeze %dma_wait3A_265 : memref<1x128x128xf32, #tpu.memory_space<vmem>> -> memref<128x128xf32, #tpu.memory_space<vmem>>
      %dma_wait3A_267 = tpu.memref_slice %arg5[%mul3A_261] : memref<25600xi32, #tpu.memory_space<vmem>> -> memref<128xi32, #tpu.memory_space<vmem>>
      %dma_wait3A_268 = arith.constant 0 : i32
      %dma_wait3A_269 = arith.constant 0 : i32
      %dma_wait3A_270 = tpu.memref_slice %arg7[%dma_wait3A_268, %dma_wait3A_269] : memref<2048x128xf32, #tpu.memory_space<vmem_shared>> -> memref<2048x128xf32, #tpu.memory_space<vmem_shared>>
      tpu.wait_indirect_dma semaphore(%arg12 : memref<!tpu.dma_semaphore, #tpu.memory_space<semaphore_mem>>) src(%dma_wait3A_270 : memref<2048x128xf32, #tpu.memory_space<vmem_shared>>) dst(%dma_wait3A_266 : memref<128x128xf32, #tpu.memory_space<vmem>>)
      %mul3A_271 = arith.constant 128 : i32
      %mul3A_272 = arith.muli %add3A_247, %mul3A_271 : i32
      %add3A_273 = arith.addi %mul3A_2, %mul3A_272 : i32
      %dma_start3A_274 = arith.constant 4 : i32
      %dma_start3A_275 = arith.constant 0 : i32
      %dma_start3A_276 = arith.constant 0 : i32
      %dma_start3A_277 = tpu.memref_slice %arg6[%dma_start3A_274, %dma_start3A_275, %dma_start3A_276] : memref<5x128x128xf32, #tpu.memory_space<vmem>> -> memref<1x128x128xf32, #tpu.memory_space<vmem>>
      %dma_start3A_278 = tpu.memref_squeeze %dma_start3A_277 : memref<1x128x128xf32, #tpu.memory_space<vmem>> -> memref<128x128xf32, #tpu.memory_space<vmem>>
      %dma_start3A_279 = arith.constant 0 : i32
      %dma_start3A_280 = tpu.memref_slice %arg4[%add3A_273, %dma_start3A_279] : memref<819200x128xf32, #tpu.memory_space<hbm>> -> memref<128x128xf32, #tpu.memory_space<hbm>>
      %dma_start3A_281 = arith.constant 0 : i32
      %dma_start3A_282 = tpu.memref_slice %arg4[%add3A_273, %dma_start3A_281] : memref<819200x128xf32, #tpu.memory_space<hbm>> -> memref<128x128xf32, #tpu.memory_space<hbm>>
      %dma_start3A_283 = arith.constant 0 : i32
      %dma_start3A_284 = arith.constant 0 : i32
      %dma_start3A_285 = tpu.memref_slice %arg6[%dma_start3A_274, %dma_start3A_283, %dma_start3A_284] : memref<5x128x128xf32, #tpu.memory_space<vmem>> -> memref<1x128x128xf32, #tpu.memory_space<vmem>>
      %dma_start3A_286 = tpu.memref_squeeze %dma_start3A_285 : memref<1x128x128xf32, #tpu.memory_space<vmem>> -> memref<128x128xf32, #tpu.memory_space<vmem>>
      tpu.enqueue_dma source(%dma_start3A_286 : memref<128x128xf32, #tpu.memory_space<vmem>>) target(%dma_start3A_282 : memref<128x128xf32, #tpu.memory_space<hbm>>) target_semaphore(%arg17 : memref<!tpu.dma_semaphore, #tpu.memory_space<semaphore_mem>>)
    }
    %scan3A_28 = arith.constant 40 : i32
    %add3A_29 = arith.constant 25216 : i32
    %add3A_30 = arith.addi %mul3A_2, %add3A_29 : i32
    %dma_wait3A = arith.constant 2 : i32
    %dma_wait3A_31 = arith.constant 0 : i32
    %dma_wait3A_32 = arith.constant 0 : i32
    %dma_wait3A_33 = tpu.memref_slice %arg6[%dma_wait3A, %dma_wait3A_31, %dma_wait3A_32] : memref<5x128x128xf32, #tpu.memory_space<vmem>> -> memref<1x128x128xf32, #tpu.memory_space<vmem>>
    %dma_wait3A_34 = tpu.memref_squeeze %dma_wait3A_33 : memref<1x128x128xf32, #tpu.memory_space<vmem>> -> memref<128x128xf32, #tpu.memory_space<vmem>>
    %dma_wait3A_35 = arith.constant 0 : i32
    %dma_wait3A_36 = tpu.memref_slice %arg4[%add3A_30, %dma_wait3A_35] : memref<819200x128xf32, #tpu.memory_space<hbm>> -> memref<128x128xf32, #tpu.memory_space<hbm>>
    %dma_wait3A_37 = arith.constant 0 : i32
    %dma_wait3A_38 = tpu.memref_slice %arg4[%add3A_30, %dma_wait3A_37] : memref<819200x128xf32, #tpu.memory_space<hbm>> -> memref<128x128xf32, #tpu.memory_space<hbm>>
    %dma_wait3A_39 = arith.constant 0 : i32
    %dma_wait3A_40 = arith.constant 0 : i32
    %dma_wait3A_41 = tpu.memref_slice %arg6[%dma_wait3A, %dma_wait3A_39, %dma_wait3A_40] : memref<5x128x128xf32, #tpu.memory_space<vmem>> -> memref<1x128x128xf32, #tpu.memory_space<vmem>>
    %dma_wait3A_42 = tpu.memref_squeeze %dma_wait3A_41 : memref<1x128x128xf32, #tpu.memory_space<vmem>> -> memref<128x128xf32, #tpu.memory_space<vmem>>
    tpu.wait_dma2 semaphore(%arg15 : memref<!tpu.dma_semaphore, #tpu.memory_space<semaphore_mem>>) src(%dma_wait3A_42 : memref<128x128xf32, #tpu.memory_space<vmem>>) dst(%dma_wait3A_38 : memref<128x128xf32, #tpu.memory_space<hbm>>)
    %add3A_43 = arith.constant 25344 : i32
    %add3A_44 = arith.addi %mul3A_2, %add3A_43 : i32
    %dma_wait3A_45 = arith.constant 3 : i32
    %dma_wait3A_46 = arith.constant 0 : i32
    %dma_wait3A_47 = arith.constant 0 : i32
    %dma_wait3A_48 = tpu.memref_slice %arg6[%dma_wait3A_45, %dma_wait3A_46, %dma_wait3A_47] : memref<5x128x128xf32, #tpu.memory_space<vmem>> -> memref<1x128x128xf32, #tpu.memory_space<vmem>>
    %dma_wait3A_49 = tpu.memref_squeeze %dma_wait3A_48 : memref<1x128x128xf32, #tpu.memory_space<vmem>> -> memref<128x128xf32, #tpu.memory_space<vmem>>
    %dma_wait3A_50 = arith.constant 0 : i32
    %dma_wait3A_51 = tpu.memref_slice %arg4[%add3A_44, %dma_wait3A_50] : memref<819200x128xf32, #tpu.memory_space<hbm>> -> memref<128x128xf32, #tpu.memory_space<hbm>>
    %dma_wait3A_52 = arith.constant 0 : i32
    %dma_wait3A_53 = tpu.memref_slice %arg4[%add3A_44, %dma_wait3A_52] : memref<819200x128xf32, #tpu.memory_space<hbm>> -> memref<128x128xf32, #tpu.memory_space<hbm>>
    %dma_wait3A_54 = arith.constant 0 : i32
    %dma_wait3A_55 = arith.constant 0 : i32
    %dma_wait3A_56 = tpu.memref_slice %arg6[%dma_wait3A_45, %dma_wait3A_54, %dma_wait3A_55] : memref<5x128x128xf32, #tpu.memory_space<vmem>> -> memref<1x128x128xf32, #tpu.memory_space<vmem>>
    %dma_wait3A_57 = tpu.memref_squeeze %dma_wait3A_56 : memref<1x128x128xf32, #tpu.memory_space<vmem>> -> memref<128x128xf32, #tpu.memory_space<vmem>>
    tpu.wait_dma2 semaphore(%arg16 : memref<!tpu.dma_semaphore, #tpu.memory_space<semaphore_mem>>) src(%dma_wait3A_57 : memref<128x128xf32, #tpu.memory_space<vmem>>) dst(%dma_wait3A_53 : memref<128x128xf32, #tpu.memory_space<hbm>>)
    %add3A_58 = arith.constant 25472 : i32
    %add3A_59 = arith.addi %mul3A_2, %add3A_58 : i32
    %dma_wait3A_60 = arith.constant 4 : i32
    %dma_wait3A_61 = arith.constant 0 : i32
    %dma_wait3A_62 = arith.constant 0 : i32
    %dma_wait3A_63 = tpu.memref_slice %arg6[%dma_wait3A_60, %dma_wait3A_61, %dma_wait3A_62] : memref<5x128x128xf32, #tpu.memory_space<vmem>> -> memref<1x128x128xf32, #tpu.memory_space<vmem>>
    %dma_wait3A_64 = tpu.memref_squeeze %dma_wait3A_63 : memref<1x128x128xf32, #tpu.memory_space<vmem>> -> memref<128x128xf32, #tpu.memory_space<vmem>>
    %dma_wait3A_65 = arith.constant 0 : i32
    %dma_wait3A_66 = tpu.memref_slice %arg4[%add3A_59, %dma_wait3A_65] : memref<819200x128xf32, #tpu.memory_space<hbm>> -> memref<128x128xf32, #tpu.memory_space<hbm>>
    %dma_wait3A_67 = arith.constant 0 : i32
    %dma_wait3A_68 = tpu.memref_slice %arg4[%add3A_59, %dma_wait3A_67] : memref<819200x128xf32, #tpu.memory_space<hbm>> -> memref<128x128xf32, #tpu.memory_space<hbm>>
    %dma_wait3A_69 = arith.constant 0 : i32
    %dma_wait3A_70 = arith.constant 0 : i32
    %dma_wait3A_71 = tpu.memref_slice %arg6[%dma_wait3A_60, %dma_wait3A_69, %dma_wait3A_70] : memref<5x128x128xf32, #tpu.memory_space<vmem>> -> memref<1x128x128xf32, #tpu.memory_space<vmem>>
    %dma_wait3A_72 = tpu.memref_squeeze %dma_wait3A_71 : memref<1x128x128xf32, #tpu.memory_space<vmem>> -> memref<128x128xf32, #tpu.memory_space<vmem>>
    tpu.wait_dma2 semaphore(%arg17 : memref<!tpu.dma_semaphore, #tpu.memory_space<semaphore_mem>>) src(%dma_wait3A_72 : memref<128x128xf32, #tpu.memory_space<vmem>>) dst(%dma_wait3A_68 : memref<128x128xf32, #tpu.memory_space<hbm>>)
    return
  }
}

module attributes {stable_mosaic.version = 14 : i64} {
  func.func @_table_body(%arg0: memref<1x128xf32, #tpu.memory_space<vmem>>, %arg1: memref<2048x128xf32, #tpu.memory_space<vmem>>) attributes {dimension_semantics = [], scalar_prefetch = 0 : i64, scratch_operands = 0 : i64, tpu.core_type = #tpu.core_type<tc>} {
    %iota3A = tpu.iota {dimensions = array<i32: 0>} : vector<2048x128xi32>
    %convert_element_type3A = arith.sitofp %iota3A : vector<2048x128xi32> to vector<2048x128xf32>
    %get3A = arith.constant 0 : index
    %get3A_0 = arith.constant 0 : index
    %get3A_1 = vector.load %arg0[%get3A, %get3A_0] : memref<1x128xf32, #tpu.memory_space<vmem>>, vector<1x128xf32>
    %mul3A = vector.broadcast %get3A_1 : vector<1x128xf32> to vector<2048x128xf32>
    %mul3A_2 = arith.mulf %convert_element_type3A, %mul3A : vector<2048x128xf32>
    %iota3A_3 = tpu.iota {dimensions = array<i32: 1>} : vector<2048x128xi32>
    %jit3A = arith.constant 2 : i32
    %eq3A = arith.constant 0 : i32
    %eq3A_4 = arith.cmpi eq, %jit3A, %eq3A : i32
    %jit3A_5 = arith.constant 1 : i32
    %select_n3A = arith.select %eq3A_4, %jit3A_5, %jit3A : i32
    %rem3A = vector.broadcast %select_n3A : i32 to vector<2048x128xi32>
    %rem3A_6 = arith.remsi %iota3A_3, %rem3A : vector<2048x128xi32>
    %ne3A = arith.constant 0 : i32
    %ne3A_7 = vector.broadcast %ne3A : i32 to vector<2048x128xi32>
    %ne3A_8 = arith.cmpi ne, %rem3A_6, %ne3A_7 : vector<2048x128xi32>
    %lt3A = arith.constant 0 : i32
    %lt3A_9 = vector.broadcast %lt3A : i32 to vector<2048x128xi32>
    %lt3A_10 = arith.cmpi slt, %rem3A_6, %lt3A_9 : vector<2048x128xi32>
    %lt3A_11 = arith.constant 0 : i32
    %lt3A_12 = arith.cmpi slt, %select_n3A, %lt3A_11 : i32
    %ne3A_13 = vector.broadcast %lt3A_12 : i1 to vector<2048x128xi1>
    %ne3A_14 = vector.broadcast %ne3A_13 : vector<2048x128xi1> to vector<2048x128xi1>
    %ne3A_15 = arith.xori %lt3A_10, %ne3A_14 : vector<2048x128xi1>
    %and3A = arith.andi %ne3A_15, %ne3A_8 : vector<2048x128xi1>
    %add3A = vector.broadcast %select_n3A : i32 to vector<2048x128xi32>
    %add3A_16 = arith.addi %rem3A_6, %add3A : vector<2048x128xi32>
    %select_n3A_17 = arith.select %and3A, %add3A_16, %rem3A_6 : vector<2048x128xi1>, vector<2048x128xi32>
    %eq3A_18 = arith.constant 0 : i32
    %eq3A_19 = vector.broadcast %eq3A_18 : i32 to vector<2048x128xi32>
    %eq3A_20 = arith.cmpi eq, %select_n3A_17, %eq3A_19 : vector<2048x128xi32>
    %sin3A = math.sin %mul3A_2 : vector<2048x128xf32>
    %cos3A = math.cos %mul3A_2 : vector<2048x128xf32>
    %select_n3A_21 = arith.select %eq3A_20, %sin3A, %cos3A : vector<2048x128xi1>, vector<2048x128xf32>
    %swap3A = arith.constant 0 : index
    %swap3A_22 = arith.constant 0 : index
    %swap3A_23 = vector.load %arg1[%swap3A, %swap3A_22] : memref<2048x128xf32, #tpu.memory_space<vmem>>, vector<2048x128xf32>
    tpu.vector_store %arg1[%swap3A, %swap3A_22], %select_n3A_21 {strides = array<i32>} : memref<2048x128xf32, #tpu.memory_space<vmem>>, vector<2048x128xf32>,
    return
  }
}

</mosaic_0001>

<sc_bundles>
// kernel: kernel.4.cloned.1.call-start
scs
__scs_entry_jumppad:
0x0: {  	(pc) =	sbr.rel $0x88, $3  }
0x1: {  	(tag) =	ssettag $0x0;
	lr =	simm.s32 $0x1  }
0x2: {  	[smem:$0x3F9F] =	sst lr;
	_ =	strace $0xD0000000  }
0x3: {  	_ = 	snop  }
0x4: {  	_ = 	snop  }
0x5: {  	_ = 	snop  }
0x6: {  	_ = 	snop  }
0x7: {  	_ = 	snop  }
__scs_overlays_trampoline_lowered:
0x8: {  	[smem:$0x3FAE] =	sst s0  }
0x9: {  	[smem:$0x3FAF] =	sst s1  }
0xa: {  	[smem:$0x3FB0] =	sst s2  }
0xb: {  	[smem:$0x3FB1] =	sst s3  }
0xc: {  	[smem:$0x3FB2] =	sst s4  }
0xd: {  	[smem:$0x3FB3] =	sst s5  }
0xe: {  	[smem:$0x3FB4] =	sst s6  }
0xf: {  	[smem:$0x3FB5] =	sst s7  }
0x10: {  	[smem:$0x3FB6] =	sst s8  }
0x11: {  	[smem:$0x3FB7] =	sst s9;
	s0 =	simm.s32 @!p0 $0x0  }
0x12: {  	s1 =	sld [smem:$0x3F9D];
	s0 =	simm.s32 @p0 $0x1  }
0x13: {  	[smem:$0x3FB8] =	sst s0;
	s0 =	simm.s32 @!p1 $0x0  }
0x14: {  	s2 =	sld [smem:$0x3F9C];
	s0 =	simm.s32 @p1 $0x1  }
0x15: {  	[smem:$0x3FB9] =	sst s0;
	s0 =	simm.s32 @!p2 $0x0  }
0x16: {  	s3 =	sld [smem:$0x3FDB];
	s0 =	simm.s32 @p2 $0x1  }
0x17: {  	s4 =	simm.s32 $0x1BF5;
	[smem:$0x3FBB] =	sst s0  }
0x18: {  	s0 =	sld [smem:$0x3F9E];
	_ =	swait.ge [sflag:s4], $0x0  }
0x19: {  	s7 =	sld [smem:$0x3F9F]  }
0x1a: {  	s8 =	sadd.s32 $0xFFFFE003, lr  }
0x1b: {  	s9 =	sadd.s32 $0xFFFFFEF7, lr;
	s5 =	simm.s32 $0xFFFFFFFF;
	p2 =	slt.u32 s8, $0xFFFFF086  }
0x1c: {  	p1 =	slt.u32 s9, $0xF7A;
	s5 =	simm.s32 @!p2 $0x0  }
0x1d: {  	s5 =	simm.s32 @p1 $0x1;
	p0 =	seq.s32 s7, s2  }
0x1e: {  	s7 =	smul.u32 @!p0 $0xF7A, s2;
	p2 =	seq.s32 @!p0 s5, $0x0  }
0x1f: {  	s9 =	smul.u32 $0xF7A, s1;
	s8 =	simm.s32 @!p0 $0x1BF5;
	p2 =	por !p2, p0  }
0x20: {  	[sflag:s8] =	ssyncset.s32 @!p0 $0xFFFFF086;
	s6 =	sadd.s32 @!p0 s3, s7;
	s7 =	simm.s32 @!p0 $0x108  }
0x21: {  	s3 =	sadd.s32 s3, s9;
	s6 =	sadd.s32 @!p0 $0x88, s6;
	s7 =	simm.s32 @p2 $0x1082  }
0x22: {  	[simem:s7], [sflag:s8] =	dma.local @!p0 [hbm:s6], $0xF7A  }
0x23: {  	s9 =	sor.u32 $0xD0000000, s2;
	s6 =	simm.s32 $0x108;
	_ =	swait.ge @!p0 [sflag:s8], $0x0  }
0x24: {  	s3 =	sadd.s32 $0x88, s3;
	s6 =	simm.s32 @!p1 $0x1082;
	[sflag:s4] =	ssyncset.s32 $0xFFFFF086  }
0x25: {  	[simem:s6], [sflag:s4] =	dma.local [hbm:s3], $0xF7A  }
0x26: {  	[smem:$0x3F9F] =	sst s1;
	(tag) =	ssettag s2;
	_ =	strace s9  }
0x27: {  	s1 =	sld [smem:$0x3FAF]  }
0x28: {  	s2 =	sld [smem:$0x3FB0]  }
0x29: {  	s4 =	sld [smem:$0x3FB2]  }
0x2a: {  	p0 =	seq.s32 s5, $0x0;
	s5 =	sld [smem:$0x3FB3]  }
0x2b: {  	s6 =	sld [smem:$0x3FB4]  }
0x2c: {  	s7 =	sld [smem:$0x3FB5]  }
0x2d: {  	s3 =	simm.s32 $0x108;
	s8 =	sld [smem:$0x3FB6]  }
0x2e: {  	s3 =	simm.s32 @!p0 $0x1082;
	s9 =	sld [smem:$0x3FB7]  }
0x2f: {  	lr =	sadd.s32 s0, s3;
	s0 =	sld [smem:$0x3FAE]  }
0x30: {  	s3 =	sld [smem:$0x3FB1]  }
0x31: {  	[smem:$0x3FBA] =	sst s10  }
0x32: {  	s10 =	sld [smem:$0x3FB8];
	_ =	sdelay $0x3  }
0x33: {  	p0 =	seq.s32 s10, $0x1;
	s10 =	sld [smem:$0x3FBA];
	_ =	sdelay $0x3  }
0x34: {  	[smem:$0x3FBA] =	sst s10  }
0x35: {  	s10 =	sld [smem:$0x3FB9];
	_ =	sdelay $0x3  }
0x36: {  	p1 =	seq.s32 s10, $0x1;
	s10 =	sld [smem:$0x3FBA];
	_ =	sdelay $0x3  }
0x37: {  	[smem:$0x3FBA] =	sst s10  }
0x38: {  	s10 =	sld [smem:$0x3FBB]  }
0x39: {  	_ = 	snop;
	(pc) =	sbr.ind lr, $3  }
0x3a: {  	_ = 	snop  }
0x3b: {  	_ = 	snop  }
0x3c: {  	p2 =	seq.s32 s10, $0x1;
	s10 =	sld [smem:$0x3FBA]  }
0x3d: {  	_ =	shalt  }
0x3e: {  	_ =	shalt  }
0x3f: {  	_ =	shalt  }
0x40: {  	_ =	shalt  }
0x41: {  	_ =	shalt  }
0x42: {  	_ =	shalt  }
0x43: {  	_ =	shalt  }
0x44: {  	_ =	shalt  }
0x45: {  	_ =	shalt  }
0x46: {  	_ =	shalt  }
0x47: {  	_ =	shalt  }
0x48: {  	_ =	shalt  }
0x49: {  	_ =	shalt  }
0x4a: {  	_ =	shalt  }
0x4b: {  	_ =	shalt  }
0x4c: {  	_ =	shalt  }
0x4d: {  	_ =	shalt  }
0x4e: {  	_ =	shalt  }
0x4f: {  	_ =	shalt  }
0x50: {  	_ =	shalt  }
0x51: {  	_ =	shalt  }
0x52: {  	_ =	shalt  }
0x53: {  	_ =	shalt  }
0x54: {  	_ =	shalt  }
0x55: {  	_ =	shalt  }
0x56: {  	_ =	shalt  }
0x57: {  	_ =	shalt  }
0x58: {  	_ =	shalt  }
0x59: {  	_ =	shalt  }
0x5a: {  	_ =	shalt  }
0x5b: {  	_ =	shalt  }
0x5c: {  	_ =	shalt  }
0x5d: {  	_ =	shalt  }
0x5e: {  	_ =	shalt  }
0x5f: {  	_ =	shalt  }
0x60: {  	_ =	shalt  }
0x61: {  	_ =	shalt  }
0x62: {  	_ =	shalt  }
0x63: {  	_ =	shalt  }
0x64: {  	_ =	shalt  }
0x65: {  	_ =	shalt  }
0x66: {  	_ =	shalt  }
0x67: {  	_ =	shalt  }
0x68: {  	_ =	shalt  }
0x69: {  	_ =	shalt  }
0x6a: {  	_ =	shalt  }
0x6b: {  	_ =	shalt  }
0x6c: {  	_ =	shalt  }
0x6d: {  	_ =	shalt  }
0x6e: {  	_ =	shalt  }
0x6f: {  	_ =	shalt  }
0x70: {  	_ =	shalt  }
0x71: {  	_ =	shalt  }
0x72: {  	_ =	shalt  }
0x73: {  	_ =	shalt  }
0x74: {  	_ =	shalt  }
0x75: {  	_ =	shalt  }
0x76: {  	_ =	shalt  }
0x77: {  	_ =	shalt  }
0x78: {  	_ =	shalt  }
0x79: {  	_ =	shalt  }
0x7a: {  	_ =	shalt  }
0x7b: {  	_ =	shalt  }
0x7c: {  	_ =	shalt  }
0x7d: {  	_ =	shalt  }
0x7e: {  	_ =	shalt  }
0x7f: {  	_ =	shalt  }
0x80: {  	_ =	shalt  }
0x81: {  	_ =	shalt  }
0x82: {  	_ =	shalt  }
0x83: {  	_ =	shalt  }
0x84: {  	_ =	shalt  }
0x85: {  	_ =	shalt  }
0x86: {  	_ =	shalt  }
0x87: {  	_ =	shalt  }
.Lfunc_end0:
.L_simem_size_0:
called_computation_lowered:
.L_overlay_start_0:
0x88: {  	s2 =	sld [smem:$0x3FD9]  }
0x89: {  	s3 =	sld [smem:$0x3FFE];
	_ =	sdelay $0x1  }
0x8a: {  	s1 =	srdreg.scid  }
0x8b: {  	s0 =	sand.u32 $0x1, s1  }
0x8c: {  	s17 =	sshll.u32 s0, $0xA;
	s2 =	sadd.s32 s3, s2  }
0x8d: {  	s2 =	sadd.s32 s2, s17  }
0x8e: {  	[smem:$0x3FC6] =	sst s2  }
0x8f: {  	_ = 	snop  }
0x90: {  	s2 =	sld [smem:$0x3FD0];
	(tm) =	ssettm $0x1  }
0x91: {  	s18 =	sld [smem:$0x3FFB];
	_ =	sdelay $0x3  }
0x92: {  	_ =	strace s18  }
0x93: {  	s3 =	sld [smem:$0x3FFC];
	_ =	sdelay $0x3  }
0x94: {  	_ =	strace s3  }
0x95: {  	s3 =	sld [smem:$0x3FFD];
	_ =	sdelay $0x3  }
0x96: {  	_ =	strace s3  }
0x97: {  	_ =	strace $0x8FFFFFFF  }
0x98: {  	s19 =	sld [smem:$0x3FDB];
	_ =	sdelay $0x1  }
0x99: {  	s4 =	simm.s32 $_scs_section_size  }
0x9a: {  	s5 =	simm.s32 $_size__tile_overlayer_lowered;
	s6 =	simm.s32 $_tile_overlayer_lowered  }
0x9b: {  	s22 =	simm.s32 $0x1BFF;
	s21 =	sshll.u32 s6, $0x1;
	s3 =	sadd.s32 s4, s19  }
0x9c: {  	s7 =	simm.s32 $0x0;
	s20 =	sshll.u32 s5, $0x1;
	s5 =	sadd.s32 s21, s3  }
0x9d: {  	[timem:s7], [sflag:s22] =	dma.local [hbm:s5], s20  }
0x9e: {  	_ =	swait.ge [sflag:s22], s20  }
0x9f: {  	s4 =	ssub.s32 $0x0, s20;
	[sflag:s22] =	ssyncset.done $0x0  }
0xa0: {  	[sflag:s22] =	ssyncadd.s32 s4;
	_ =	sdelay $0x1  }
0xa1: {  	s23 =	simm.s32 $0x1B8B  }
0xa2: {  	_ =	swait.ge [sflag:s23], $0x1  }
0xa3: {  	[sflag:s23] =	ssyncset.done $0x0  }
0xa4: {  	s25 =	simm.s32 $0x1B8E;
	s24 =	sld [smem:$0x3FFE];
	[sflag:s23] =	ssyncadd.s32 $0xFFFFFFFF  }
0xa5: {  	s26 =	simm.s32 $execute0_lowered;
	[smem:$0x3FD2] =	sst s25  }
0xa6: {  	s5 =	sshll.u32 s26, $0x1;
	_ =	strace $0x80000046;
	[dreg:$0x1] =	wrdreg $0xFFFFFFFF  }
0xa7: {  	s28 =	simm.s32 $_size_execute0_lowered;
	s3 =	sadd.s32 s3, s5;
	[dreg:$0x0] =	wrdreg $0x0  }
0xa8: {  	s5 =	sshll.u32 s28, $0x1;
	[dreg:$0x2] =	wrdreg s3  }
0xa9: {  	[dreg:$0x3] =	wrdreg s5  }
0xaa: {  	[dreg:$0x4] =	wrdreg $0xC0  }
0xab: {  	_ =	task [dreg:s7], $0x5FFFF  }
0xac: {  	[dreg:$0x1] =	wrdreg $0xFFFFFFFF  }
0xad: {  	[dreg:$0x0] =	wrdreg $0x60  }
0xae: {  	[dreg:$0x2] =	wrdreg s24  }
0xaf: {  	[dreg:$0x3] =	wrdreg s2  }
0xb0: {  	[dreg:$0x4] =	wrdreg $0x1A4000  }
0xb1: {  	[dreg:$0x5] =	wrdreg $0x9  }
0xb2: {  	_ =	task.clear_ibuf [dreg:s7], $0x6FFFF;
	_ =	strace $0x90000046  }
0xb3: {  	s29 =	simm.s32 $0x9;
	_ =	strace $0x80000048  }
0xb4: {  	_ =	swait.ge [sflag:s29], $0x1  }
0xb5: {  	[sflag:s29] =	ssyncadd.s32 $0xFFFFFFFF  }
0xb6: {  	_ =	strace $0x90000048  }
0xb7: {  	_ =	sfence  }
0xb8: {  	s30 =	sld [smem:$0x0];
	_ =	sdelay $0x2  }
0xb9: {  	s31 =	sshll.u32 s1, $0xD;
	s1 =	sshrl.u32 s1, $0x2  }
0xba: {  	s3 =	sand.u32 $0x4000, s31;
	s1 =	sadd.s32 s1, s30  }
0xbb: {  	s0 =	sor.u32 s3, s0;
	s1 =	sshll.u32 s1, $0x11  }
0xbc: {  	s0 =	sor.u32 s1, s0  }
0xbd: {  	s0 =	sadd.s32 $0x8F2B, s0  }
0xbe: {  	[sflag:s0] =	ssyncadd.remote.s32 $0x1  }
0xbf: {  	_ =	sfence.sel $0xFFFF  }
0xc0: {  	[dreg:$0x0] =	wrdreg $0xFFFFFFFF;
	(pc) =	sbr.abs _section_cstart, $3  }
0xc1: {  	[dreg:$0x1] =	wrdreg $0xFFFFFFFF  }
0xc2: {  	_ =	task.clear_ibuf [dreg:s7], $0x2FFFF;
	_ =	strace $0x9FFFFFFF  }
0xc3: {  	(tm) =	ssettm $0x7FFFFFFF  }
tec
execute0_lowered:
.L_overlay_start_1:
0x0: {  	(tag) =	ssettag $0x1  }
0x1: {  	s0 =	rddreg [dreg:$0x0]  }
0x2: {  	s1 =	srdreg.scid;
	s3 =	stileid.u32  }
0x3: {  	s4 =	rddreg [dreg:$0x1];
	s12 =	simm.s32 $0x80;
	s13 =	simm.s32 $0x6400  }
0x4: {  	s14 =	simm.s32 $0xA400;
	s15 =	simm.s32 $0xE400;
	s16 =	simm.s32 $0x1  }
0x5: {  	s17 =	simm.s32 $0x12400;
	s18 =	simm.s32 $0x2;
	s19 =	simm.s32 $0x16400  }
0x6: {  	s20 =	simm.s32 $0x3;
	s21 =	simm.s32 $0x6;
	s22 =	simm.s32 $0x4  }
0x7: {  	s29 =	simm.s32 $0x0;
	s5 =	sand.u32 $0x1, s1;
	s7 =	smul.u32 $0xC8000, s3  }
0x8: {  	s2 =	sshll.u32 s3, $0x1;
	s1 =	rddreg [dreg:$0x2];
	s23 =	smul.u32 $0x640000, s3  }
0x9: {  	s8 =	sadd.s32 $0x600, s0;
	s6 =	sor.u32 s5, s2;
	s10 =	smul.u32 $0x320000, s5  }
0xa: {  	s2 =	simm.s32 $0x0;
	s9 =	ssub.s32 $0x2, s5;
	s5 =	smul.u32 $0x64000, s5  }
0xb: {  	p0 =	sne.s32 s3, $0x0;
	s6 =	smul.u32 $0x6400, s6;
	[smem:$0x7FF] =	sst s2  }
0xc: {  	s24 =	sshrl.u32 s9, $0x1;
	s7 =	sadd.s32 s7, s4;
	_ =	strace $0x80000047  }
0xd: {  	[dreg:$0x4] =	wrdreg s8;
	s8 =	sadd.s32 s10, s23;
	s25 =	sadd.s32 s5, s7  }
0xe: {  	s23 =	simm.s32 $0x7;
	s6 =	sshrl.u32 s6, $0x3;
	s26 =	sor.u32 $0x10000, s8  }
0xf: {  	s30 =	sor.u32 $0xC000, s8;
	s31 =	sor.u32 $0x8000, s8;
	s0 =	sadd.s32 s6, s0  }
0x10: {  	s6 =	ssub.s32 s9, s24;
	s28 =	sshrl.u32 s26, $0x3;
	s5 =	sshrl.u32 s31, $0x3  }
0x11: {  	s24 =	simm.s32 $0x5;
	s0 =	sadd.s32 $0x8600, s0;
	s6 =	smax.u32 s6, $0x1  }
0x12: {  	s10 =	sadd.s32 s28, s4;
	[dreg:$0x5] =	wrdreg s0;
	s0 =	sshrl.u32 s30, $0x3  }
0x13: {  	[dreg:$0x6] =	wrdreg s6;
	s8 =	sadd.s32 s0, s4;
	s0 =	sshrl.u32 @!p0 s1, $0x3  }
0x14: {  	s9 =	sadd.s32 s5, s4;
	s6 =	sadd.s32 $0x800, s25;
	[dreg:$0x7] =	wrdreg s0  }
.LBB2_1:
0x15: {  	s3 =	rddreg [dreg:$0x4]  }
0x16: {  	s0 =	simm.s32 @!p0 $0x1C0B;
	s4 =	rddreg [dreg:$0x7]  }
0x17: {  	[spmem:s4], [sflag:s0] =	dma.local @!p0 [hbm:s3], $0x8000  }
0x18: {  	s0 =	simm.s32 @!p0 $0xB  }
0x19: {  	_ =	swait.ge @!p0 [sflag:s0], $0x8000  }
0x1a: {  	[sflag:s0] =	ssyncset.done @!p0 $0x0  }
0x1b: {  	s7 =	simm.s32 $0xB;
	s5 =	rddreg [dreg:$0x5];
	[sflag:s0] =	ssyncadd.s32 @!p0 $0xFFFF8000  }
0x1c: {  	[tilespmem:s2], [sflag:$0xB] =	stream.linear.gather [hbm4b:s5+s2], $0x6400, $0x38;
	[tilespmem:$0x1E400] =	vst v63  }
0x1d: {  	_ =	swait.ge [sflag:s7], $0x6400  }
0x1e: {  	[sflag:s7] =	ssyncset.done $0x0  }
0x1f: {  	[sflag:s7] =	ssyncadd.s32 $0xFFFF9C00  }
0x20: {  	p1 =	por $0x1, $0x1;
	[bflag:$0x0] =	sbarrier.arrive $0xFFFF  }
0x21: {  	[tilespmem:s13], [sflag:$0x1] =	stream.indirect.gather [spmem:s1], $0x80, s2, s12, $0xb8;
	[tilespmem:$0x1E400] =	vst v63  }
0x22: {  	s0 =	simm.s32 @!p1 $0x8  }
0x23: {  	[tilespmem:s14], [sflag:$0x2] =	stream.indirect.gather [spmem:s1], $0x80, s12, s12, $0xb8;
	[tilespmem:$0x1E400] =	vst v63  }
0x24: {  	_ =	swait.ge @!p1 [sflag:s0], $0x4000  }
0x25: {  	[sflag:s0] =	ssyncset.done @!p1 $0x0  }
0x26: {  	s11 =	simm.s32 $0x100;
	[sflag:s0] =	ssyncadd.s32 @!p1 $0xFFFFC000  }
0x27: {  	[tilespmem:s15], [sflag:$0x3] =	stream.indirect.gather [spmem:s1], $0x80, s11, s12, $0xb8;
	[tilespmem:$0x1E400] =	vst v63  }
0x28: {  	_ =	swait.ge [sflag:s16], $0x4000  }
0x29: {  	[sflag:s16] =	ssyncset.done $0x0  }
0x2a: {  	s25 =	sadd.s32 $0xFFFFF800, s6;
	s3 =	simm.s32 @!p1 $0x9;
	[sflag:s16] =	ssyncadd.s32 $0xFFFFC000  }
0x2b: {  	[hbm4b:s25+s2] =	stream.linear.scatter [tilespmem:s13], [sflag:$0x6], $0x4000, $0x38;
	[tilespmem:$0x1E400] =	vst v63  }
0x2c: {  	_ =	swait.ge @!p1 [sflag:s3], $0x4000  }
0x2d: {  	[sflag:s3] =	ssyncset.done @!p1 $0x0  }
0x2e: {  	s26 =	simm.s32 $0x180;
	[sflag:s3] =	ssyncadd.s32 @!p1 $0xFFFFC000  }
0x2f: {  	[tilespmem:s17], [sflag:$0x4] =	stream.indirect.gather [spmem:s1], $0x80, s26, s12, $0xb8;
	[tilespmem:$0x1E400] =	vst v63  }
0x30: {  	_ =	swait.ge [sflag:s18], $0x4000  }
0x31: {  	[sflag:s18] =	ssyncset.done $0x0  }
0x32: {  	s0 =	simm.s32 @!p1 $0xA;
	[sflag:s18] =	ssyncadd.s32 $0xFFFFC000  }
0x33: {  	[hbm4b:s6+s2] =	stream.linear.scatter [tilespmem:s14], [sflag:$0x7], $0x4000, $0x38;
	[tilespmem:$0x1E400] =	vst v63  }
0x34: {  	_ =	swait.ge @!p1 [sflag:s0], $0x4000  }
0x35: {  	[sflag:s0] =	ssyncset.done @!p1 $0x0  }
0x36: {  	s28 =	simm.s32 $0x200;
	[sflag:s0] =	ssyncadd.s32 @!p1 $0xFFFFC000  }
0x37: {  	[tilespmem:s19], [sflag:$0x5] =	stream.indirect.gather [spmem:s1], $0x80, s28, s12, $0xb8;
	[tilespmem:$0x1E400] =	vst v63  }
0x38: {  	_ =	swait.ge [sflag:s20], $0x4000  }
0x39: {  	[sflag:s20] =	ssyncset.done $0x0  }
0x3a: {  	[sflag:s20] =	ssyncadd.s32 $0xFFFFC000  }
0x3b: {  	[hbm4b:s9+s2] =	stream.linear.scatter [tilespmem:s15], [sflag:$0x8], $0x4000, $0x38;
	[tilespmem:$0x1E400] =	vst v63  }
0x3c: {  	p1 =	por $0x0, $0x0;
	_ =	swait.ge [sflag:s21], $0x4000  }
0x3d: {  	s0 =	simm.s32 @!p1 $0x6400;
	[sflag:s21] =	ssyncset.done $0x0  }
0x3e: {  	s3 =	simm.s32 @!p1 $0x280;
	s4 =	simm.s32 @!p1 $0x80;
	[sflag:s21] =	ssyncadd.s32 $0xFFFFC000  }
0x3f: {  	[tilespmem:s0], [sflag:$0x1] =	stream.indirect.gather @!p1 [spmem:s1], $0x80, s3, s4, $0xb8;
	[tilespmem:$0x1E400] =	vst v63  }
0x40: {  	_ =	swait.ge [sflag:s22], $0x4000  }
0x41: {  	[sflag:s22] =	ssyncset.done $0x0  }
0x42: {  	[sflag:s22] =	ssyncadd.s32 $0xFFFFC000  }
0x43: {  	[hbm4b:s8+s2] =	stream.linear.scatter [tilespmem:s17], [sflag:$0x9], $0x4000, $0x38;
	[tilespmem:$0x1E400] =	vst v63  }
0x44: {  	s30 =	sadd.s32 $0x2800, s10;
	s31 =	sadd.s32 $0x2800, s8;
	_ =	swait.ge [sflag:s23], $0x4000  }
0x45: {  	p2 =	por $0x0, $0x0;
	s5 =	simm.s32 $0x1400;
	[sflag:s23] =	ssyncset.done $0x0  }
0x46: {  	s7 =	simm.s32 @!p1 $0x300;
	s11 =	simm.s32 @!p1 $0xA400;
	[sflag:s23] =	ssyncadd.s32 $0xFFFFC000  }
0x47: {  	[tilespmem:s11], [sflag:$0x2] =	stream.indirect.gather @!p1 [spmem:s1], $0x80, s7, s4, $0xb8;
	[tilespmem:$0x1E400] =	vst v63  }
0x48: {  	s0 =	simm.s32 $0xA00;
	s3 =	sadd.s32 $0x2800, s9;
	_ =	swait.ge [sflag:s24], $0x4000  }
0x49: {  	s4 =	sadd.s32 $0x2800, s6;
	s7 =	smov.u32 s10;
	[sflag:s24] =	ssyncset.done $0x0  }
.LBB2_2:
0x4a: {  	s25 =	simm.s32 @!p2 $0x8  }
0x4b: {  	[sflag:s24] =	ssyncadd.s32 $0xFFFFC000;
	s11 =	smov.u32 s5;
	s5 =	sadd.s32 $0xA00, s5  }
0x4c: {  	[hbm4b:s7+s2] =	stream.linear.scatter [tilespmem:s19], [sflag:$0xA], $0x4000, $0x38;
	[tilespmem:$0x1E400] =	vst v63  }
0x4d: {  	p1 =	sne.s32 s5, $0x19000;
	s7 =	smov.u32 s30;
	_ =	swait.ge @!p2 [sflag:s25], $0x4000  }
0x4e: {  	s26 =	sshra.s32 s0, $0x2;
	[sflag:s25] =	ssyncset.done @!p2 $0x0  }
0x4f: {  	[sflag:s25] =	ssyncadd.s32 @!p2 $0xFFFFC000;
	s25 =	sadd.s32 $0x100, s26  }
0x50: {  	[tilespmem:s15], [sflag:$0x3] =	stream.indirect.gather [spmem:s1], $0x80, s25, s12, $0xb8;
	[tilespmem:$0x1E400] =	vst v63  }
0x51: {  	_ =	swait.ge [sflag:s16], $0x4000  }
0x52: {  	[sflag:s16] =	ssyncset.done $0x0  }
0x53: {  	s28 =	simm.s32 @!p2 $0x9;
	s25 =	sadd.s32 $0xFFFFF800, s4;
	[sflag:s16] =	ssyncadd.s32 $0xFFFFC000  }
0x54: {  	[hbm4b:s25+s2] =	stream.linear.scatter [tilespmem:s13], [sflag:$0x6], $0x4000, $0x38;
	[tilespmem:$0x1E400] =	vst v63  }
0x55: {  	_ =	swait.ge @!p2 [sflag:s28], $0x4000  }
0x56: {  	[sflag:s28] =	ssyncset.done @!p2 $0x0  }
0x57: {  	s25 =	sadd.s32 $0x180, s26;
	[sflag:s28] =	ssyncadd.s32 @!p2 $0xFFFFC000  }
0x58: {  	[tilespmem:s17], [sflag:$0x4] =	stream.indirect.gather [spmem:s1], $0x80, s25, s12, $0xb8;
	[tilespmem:$0x1E400] =	vst v63  }
0x59: {  	_ =	swait.ge [sflag:s18], $0x4000  }
0x5a: {  	[sflag:s18] =	ssyncset.done $0x0  }
0x5b: {  	s25 =	simm.s32 @!p2 $0xA;
	[sflag:s18] =	ssyncadd.s32 $0xFFFFC000  }
0x5c: {  	[hbm4b:s4+s2] =	stream.linear.scatter [tilespmem:s14], [sflag:$0x7], $0x4000, $0x38;
	[tilespmem:$0x1E400] =	vst v63  }
0x5d: {  	_ =	swait.ge @!p2 [sflag:s25], $0x4000  }
0x5e: {  	[sflag:s25] =	ssyncset.done @!p2 $0x0  }
0x5f: {  	[sflag:s25] =	ssyncadd.s32 @!p2 $0xFFFFC000;
	s25 =	sadd.s32 $0x200, s26  }
0x60: {  	[tilespmem:s19], [sflag:$0x5] =	stream.indirect.gather [spmem:s1], $0x80, s25, s12, $0xb8;
	[tilespmem:$0x1E400] =	vst v63  }
0x61: {  	_ =	swait.ge [sflag:s20], $0x4000  }
0x62: {  	[sflag:s20] =	ssyncset.done $0x0  }
0x63: {  	[sflag:s20] =	ssyncadd.s32 $0xFFFFC000  }
0x64: {  	[hbm4b:s3+s2] =	stream.linear.scatter [tilespmem:s15], [sflag:$0x8], $0x4000, $0x38;
	[tilespmem:$0x1E400] =	vst v63  }
0x65: {  	p2 =	seq.s32 s0, $0x18600;
	_ =	swait.ge [sflag:s21], $0x4000  }
0x66: {  	s0 =	sshra.s32 @!p2 s0, $0x2;
	s25 =	simm.s32 @!p2 $0x6400;
	[sflag:s21] =	ssyncset.done $0x0  }
0x67: {  	s28 =	simm.s32 @!p2 $0x80;
	s26 =	sadd.s32 @!p2 $0x280, s0;
	[sflag:s21] =	ssyncadd.s32 $0xFFFFC000  }
0x68: {  	[tilespmem:s25], [sflag:$0x1] =	stream.indirect.gather @!p2 [spmem:s1], $0x80, s26, s28, $0xb8;
	[tilespmem:$0x1E400] =	vst v63  }
0x69: {  	s25 =	sadd.s32 @!p2 $0x300, s0;
	s0 =	smov.u32 s11;
	_ =	swait.ge [sflag:s22], $0x4000  }
0x6a: {  	[sflag:s22] =	ssyncset.done $0x0  }
0x6b: {  	[sflag:s22] =	ssyncadd.s32 $0xFFFFC000  }
0x6c: {  	[hbm4b:s31+s2] =	stream.linear.scatter [tilespmem:s17], [sflag:$0x9], $0x4000, $0x38;
	[tilespmem:$0x1E400] =	vst v63  }
0x6d: {  	_ =	swait.ge [sflag:s23], $0x4000  }
.Ltmp0:
0x6e: {  	[sflag:s23] =	ssyncset.done $0x0;
	(pc) =	sbr.rel @p1 .LBB2_2-.Ltmp0, $4  }
0x6f: {  	s3 =	sadd.s32 $0x2800, s3;
	s11 =	simm.s32 @!p2 $0xA400;
	[sflag:s23] =	ssyncadd.s32 $0xFFFFC000  }
0x70: {  	[tilespmem:s11], [sflag:$0x2] =	stream.indirect.gather @!p2 [spmem:s1], $0x80, s25, s28, $0xb8;
	[tilespmem:$0x1E400] =	vst v63  }
0x71: {  	s30 =	sadd.s32 $0x2800, s30;
	s31 =	sadd.s32 $0x2800, s31;
	_ =	swait.ge [sflag:s24], $0x4000  }
0x72: {  	s4 =	sadd.s32 $0x2800, s4;
	p2 =	seq.s32 s0, $0x0;
	[sflag:s24] =	ssyncset.done $0x0  }
0x73: {  	s5 =	simm.s32 @!p2 $0x8;
	[sflag:s24] =	ssyncadd.s32 $0xFFFFC000  }
0x74: {  	[hbm4b:s7+s2] =	stream.linear.scatter [tilespmem:s19], [sflag:$0xA], $0x4000, $0x38;
	[tilespmem:$0x1E400] =	vst v63  }
0x75: {  	_ =	swait.ge @!p2 [sflag:s5], $0x4000  }
0x76: {  	s25 =	sshra.s32 s0, $0x2;
	[sflag:s5] =	ssyncset.done @!p2 $0x0  }
0x77: {  	s26 =	sadd.s32 $0x100, s25;
	[sflag:s5] =	ssyncadd.s32 @!p2 $0xFFFFC000  }
0x78: {  	[tilespmem:s15], [sflag:$0x3] =	stream.indirect.gather [spmem:s1], $0x80, s26, s12, $0xb8;
	[tilespmem:$0x1E400] =	vst v63  }
0x79: {  	_ =	swait.ge [sflag:s16], $0x4000  }
0x7a: {  	[sflag:s16] =	ssyncset.done $0x0  }
0x7b: {  	s28 =	sadd.s32 $0xFFFFF800, s4;
	s5 =	simm.s32 @!p2 $0x9;
	[sflag:s16] =	ssyncadd.s32 $0xFFFFC000  }
0x7c: {  	[hbm4b:s28+s2] =	stream.linear.scatter [tilespmem:s13], [sflag:$0x6], $0x4000, $0x38;
	[tilespmem:$0x1E400] =	vst v63  }
0x7d: {  	_ =	swait.ge @!p2 [sflag:s5], $0x4000  }
0x7e: {  	[sflag:s5] =	ssyncset.done @!p2 $0x0  }
0x7f: {  	s11 =	sadd.s32 $0x180, s25;
	[sflag:s5] =	ssyncadd.s32 @!p2 $0xFFFFC000  }
0x80: {  	[tilespmem:s17], [sflag:$0x4] =	stream.indirect.gather [spmem:s1], $0x80, s11, s12, $0xb8;
	[tilespmem:$0x1E400] =	vst v63  }
0x81: {  	_ =	swait.ge [sflag:s18], $0x4000  }
0x82: {  	[sflag:s18] =	ssyncset.done $0x0  }
0x83: {  	[sflag:s18] =	ssyncadd.s32 $0xFFFFC000  }
0x84: {  	[hbm4b:s4+s2] =	stream.linear.scatter [tilespmem:s14], [sflag:$0x7], $0x4000, $0x38;
	[tilespmem:$0x1E400] =	vst v63  }
0x85: {  	s4 =	simm.s32 @!p2 $0xA  }
0x86: {  	_ =	swait.ge @!p2 [sflag:s4], $0x4000  }
0x87: {  	[sflag:s4] =	ssyncset.done @!p2 $0x0  }
0x88: {  	s25 =	sadd.s32 $0x200, s25;
	[sflag:s4] =	ssyncadd.s32 @!p2 $0xFFFFC000  }
0x89: {  	[tilespmem:s19], [sflag:$0x5] =	stream.indirect.gather [spmem:s1], $0x80, s25, s12, $0xb8;
	[tilespmem:$0x1E400] =	vst v63  }
0x8a: {  	_ =	swait.ge [sflag:s20], $0x4000  }
0x8b: {  	[sflag:s20] =	ssyncset.done $0x0  }
0x8c: {  	[sflag:s20] =	ssyncadd.s32 $0xFFFFC000  }
0x8d: {  	[hbm4b:s3+s2] =	stream.linear.scatter [tilespmem:s15], [sflag:$0x8], $0x4000, $0x38;
	[tilespmem:$0x1E400] =	vst v63  }
0x8e: {  	p1 =	seq.s32 s0, $0x18600;
	_ =	swait.ge [sflag:s21], $0x4000  }
0x8f: {  	s0 =	sshra.s32 @!p1 s0, $0x2;
	s5 =	simm.s32 @!p1 $0x80;
	[sflag:s21] =	ssyncset.done $0x0  }
0x90: {  	s4 =	sadd.s32 @!p1 $0x280, s0;
	s3 =	simm.s32 @!p1 $0x6400;
	[sflag:s21] =	ssyncadd.s32 $0xFFFFC000  }
0x91: {  	[tilespmem:s3], [sflag:$0x1] =	stream.indirect.gather @!p1 [spmem:s1], $0x80, s4, s5, $0xb8;
	[tilespmem:$0x1E400] =	vst v63  }
0x92: {  	_ =	swait.ge [sflag:s22], $0x4000  }
0x93: {  	[sflag:s22] =	ssyncset.done $0x0  }
0x94: {  	[sflag:s22] =	ssyncadd.s32 $0xFFFFC000  }
0x95: {  	[hbm4b:s31+s2] =	stream.linear.scatter [tilespmem:s17], [sflag:$0x9], $0x4000, $0x38;
	[tilespmem:$0x1E400] =	vst v63  }
0x96: {  	_ =	swait.ge [sflag:s23], $0x4000  }
0x97: {  	[sflag:s23] =	ssyncset.done $0x0  }
0x98: {  	s0 =	sadd.s32 @!p1 $0x300, s0;
	s3 =	simm.s32 @!p1 $0xA400;
	[sflag:s23] =	ssyncadd.s32 $0xFFFFC000  }
0x99: {  	[tilespmem:s3], [sflag:$0x2] =	stream.indirect.gather @!p1 [spmem:s1], $0x80, s0, s5, $0xb8;
	[tilespmem:$0x1E400] =	vst v63  }
0x9a: {  	_ =	swait.ge [sflag:s24], $0x4000  }
0x9b: {  	[sflag:s24] =	ssyncset.done $0x0  }
0x9c: {  	s26 =	simm.s32 $0x8;
	[sflag:s24] =	ssyncadd.s32 $0xFFFFC000  }
0x9d: {  	[hbm4b:s30+s2] =	stream.linear.scatter [tilespmem:s19], [sflag:$0xA], $0x4000, $0x38;
	[tilespmem:$0x1E400] =	vst v63  }
0x9e: {  	_ =	swait.ge [sflag:s26], $0x4000  }
0x9f: {  	[sflag:s26] =	ssyncset.done $0x0  }
0xa0: {  	s28 =	simm.s32 $0x9;
	[sflag:s26] =	ssyncadd.s32 $0xFFFFC000  }
0xa1: {  	_ =	swait.ge [sflag:s28], $0x4000  }
0xa2: {  	[sflag:s28] =	ssyncset.done $0x0  }
0xa3: {  	s30 =	simm.s32 $0xA;
	[sflag:s28] =	ssyncadd.s32 $0xFFFFC000  }
0xa4: {  	_ =	swait.ge [sflag:s30], $0x4000  }
0xa5: {  	s29 =	sadd.s32 $0x1, s29;
	s31 =	rddreg [dreg:$0x6]  }
0xa6: {  	p1 =	sne.s32 s29, s31  }
.Ltmp1:
0xa7: {  	_ = 	snop;
	(pc) =	sbr.rel @p1 .LBB2_1-.Ltmp1, $3  }
0xa8: {  	_ =	sdelay $0x1  }
0xa9: {  	[sflag:s30] =	ssyncset.done $0x0  }
0xaa: {  	[sflag:s30] =	ssyncadd.s32 $0xFFFFC000  }
0xab: {  	_ =	sfence.sel $0x180000  }
0xac: {  	[bflag:$0x0] =	sbarrier.arrive $0xFFFF  }
0xad: {  	_ =	strace $0x90000047  }
0xae: {  	[bflag:$0x2] =	sbarrier.arrive $0xFFFF  }
0xaf: {  	s0 =	rddreg [dreg:$0x3]  }
0xb0: {  	s0 =	sadd.s32 @!p0 $0x100000, s0  }
0xb1: {  	[sflag:s0] =	ssyncadd.tile.s32 @!p0 $0x1;
	_ =	shalt  }
.Lfunc_end2:
_tile_overlayer_lowered:
.L_overlay_start_2:
0xb2: {  	(tag) =	ssettag $0x2  }
0xb3: {  	s0 =	rddreg [dreg:$0x0];
	s2 =	stileid.u32  }
0xb4: {  	s1 =	rddreg [dreg:$0x1];
	p0 =	sne.s32 s2, $0x0  }
0xb5: {  	s3 =	rddreg [dreg:$0x2];
	[bflag:$0x3] =	sbarrier.arrive $0xFFFF;
	s2 =	simm.s32 @!p0 $0x1C0B  }
0xb6: {  	[timem:s3], [sflag:s2] =	dma.local @!p0 [hbm:s0], s1  }
0xb7: {  	s0 =	simm.s32 @!p0 $0xB  }
0xb8: {  	_ =	swait.ge @!p0 [sflag:s0], s1  }
0xb9: {  	s1 =	ssub.s32 @!p0 $0x0, s1;
	[sflag:s0] =	ssyncset.done @!p0 $0x0  }
0xba: {  	[sflag:s0] =	ssyncadd.s32 @!p0 s1  }
0xbb: {  	[bflag:$0x3] =	sbarrier.arrive $0xFFFF  }
0xbc: {  	_ =	shalt  }

</sc_bundles>
